<compile_context>
chip_gen: v7x
topology: tpu7x:2x2x1
jax: 0.10.2.dev20260603
libtpu: 0.0.44.dev20260713+nightly
codegen_flags: <defaults>
</compile_context>

<pallas_src>
import jax
import jax.numpy as jnp
from jax import lax
from jax.experimental import pallas as pl
from jax.experimental.pallas import tpu as pltpu
from jax.experimental.pallas import tpu_sc as plsc

_NC = 2
_NS = 16
_NW = _NC * _NS
_L = 16
_C = 384
_GRP = _C // _L
_ROWS = 4 * 64 * 64
_RPT = _ROWS // _NW
_RCH = 32
_NCH = _RPT // _RCH


def _sc_body(x0_hbm, x1_hbm, w1_hbm, w2_hbm, t_hbm, y1_hbm, y2_hbm,
             x0_v, x1_v, y1_v, y2_v, w1_v, w2_v, t_v):
    wid = lax.axis_index("s") * _NC + lax.axis_index("c")
    base = wid * _RPT
    pltpu.sync_copy(w1_hbm, w1_v)
    pltpu.sync_copy(w2_hbm, w2_v)
    pltpu.sync_copy(t_hbm, t_v)
    tv = t_v[...]
    m1 = [jnp.abs(w1_v[pl.ds(k * _L, _L)]) >= tv for k in range(_GRP)]
    m2 = [jnp.abs(w2_v[pl.ds(k * _L, _L)]) >= tv for k in range(_GRP)]

    def chunk(ci, carry):
        r0 = base + ci * _RCH
        pltpu.sync_copy(x0_hbm.at[pl.ds(r0, _RCH)], x0_v)
        pltpu.sync_copy(x1_hbm.at[pl.ds(r0, _RCH)], x1_v)

        def row(i, c2):
            for k in range(_GRP):
                s = pl.ds(k * _L, _L)
                a0 = x0_v[i, s]
                a1 = x1_v[i, s]
                y1_v[i, s] = jnp.where(m1[k], a0, a1)
                y2_v[i, s] = jnp.where(m2[k], a1, a0)
            return c2

        lax.fori_loop(0, _RCH, row, 0)
        pltpu.sync_copy(y1_v, y1_hbm.at[pl.ds(r0, _RCH)])
        pltpu.sync_copy(y2_v, y2_hbm.at[pl.ds(r0, _RCH)])
        return carry

    lax.fori_loop(0, _NCH, chunk, 0)


def kernel(x0, x1, bn1_weight, bn2_weight, bn_threshold):
    B, C, H, W = x0.shape
    x0t = jnp.transpose(x0, (0, 2, 3, 1)).reshape(B * H * W, C)
    x1t = jnp.transpose(x1, (0, 2, 3, 1)).reshape(B * H * W, C)
    tv = jnp.full((_L,), bn_threshold, jnp.float32)

    sck = pl.kernel(
        _sc_body,
        out_type=[jax.ShapeDtypeStruct((B * H * W, C), jnp.float32)] * 2,
        mesh=plsc.VectorSubcoreMesh(core_axis_name="c", subcore_axis_name="s"),
        scratch_types=[
            pltpu.VMEM((_RCH, _C), jnp.float32),
            pltpu.VMEM((_RCH, _C), jnp.float32),
            pltpu.VMEM((_RCH, _C), jnp.float32),
            pltpu.VMEM((_RCH, _C), jnp.float32),
            pltpu.VMEM((_C,), jnp.float32),
            pltpu.VMEM((_C,), jnp.float32),
            pltpu.VMEM((_L,), jnp.float32),
        ],
    )
    y1t, y2t = sck(x0t, x1t, bn1_weight, bn2_weight, tv)
    y1 = jnp.transpose(y1t.reshape(B, H, W, C), (0, 3, 1, 2))
    y2 = jnp.transpose(y2t.reshape(B, H, W, C), (0, 3, 1, 2))
    return y1, y2

# --- scband reference (transcript-rebuilt; emitter-appended) ---
"""Pipeline reference for scband-exchange-3985729651470 (READ-ONLY COPY).

The authoritative reference and input builder live on the scoring server;
editing this copy changes nothing except your own understanding.
"""

import jax, jax.numpy as jnp
import numpy as np


def setup_inputs(seed: int = 0) -> dict:
    key = jax.random.key(seed)
    k0, k1, k2, k3 = jax.random.split(key, 4)
    B, C, H, W = 4, 384, 64, 64
    x0 = jax.random.normal(k0, (B, C, H, W), dtype=jnp.float32)
    x1 = jax.random.normal(k1, (B, C, H, W), dtype=jnp.float32)
    # bn[i].weight of the two BatchNorm2d modules (one per modality)
    bn1_weight = jax.random.normal(k2, (C,), dtype=jnp.float32)
    bn2_weight = jax.random.normal(k3, (C,), dtype=jnp.float32)
    # sparsity threshold on |gamma|; 0.5 splits ~62/38 for unit-normal weights
    bn_threshold = jnp.float32(0.5)
    return {"x0": x0, "x1": x1, "bn1_weight": bn1_weight,
            "bn2_weight": bn2_weight, "bn_threshold": bn_threshold}


def reference(x0, x1, bn1_weight, bn2_weight, bn_threshold):
    # x1_out[:, c] = x0[:, c] if |bn1_w[c]| >= t else x1[:, c]
    # x2_out[:, c] = x1[:, c] if |bn2_w[c]| >= t else x0[:, c]
    m1 = (jnp.abs(bn1_weight) >= bn_threshold)[None, :, None, None]
    m2 = (jnp.abs(bn2_weight) >= bn_threshold)[None, :, None, None]
    y1 = jnp.where(m1, x0, x1)
    y2 = jnp.where(m2, x1, x0)
    return (y1, y2)

if __name__ == "__main__":
    import jax
    _d = setup_inputs()
    print(jax.jit(kernel)(*tuple(_d.values())))

</pallas_src>

<mosaic_0001>
#map = affine_map<(d0, d1) -> (0, 0)>
#map1 = affine_map<(d0, d1) -> (0)>
module attributes {stable_mosaic.version = 14 : i64} {
  func.func @_sc_body(%arg0: i32, %arg1: i32, %arg2: memref<16384x384xf32, #tpu.memory_space<hbm>>, %arg3: memref<16384x384xf32, #tpu.memory_space<hbm>>, %arg4: memref<384xf32, #tpu.memory_space<hbm>>, %arg5: memref<384xf32, #tpu.memory_space<hbm>>, %arg6: memref<16xf32, #tpu.memory_space<hbm>>, %arg7: memref<16384x384xf32, #tpu.memory_space<hbm>>, %arg8: memref<16384x384xf32, #tpu.memory_space<hbm>>, %arg9: memref<32x384xf32, #tpu.memory_space<vmem>>, %arg10: memref<32x384xf32, #tpu.memory_space<vmem>>, %arg11: memref<32x384xf32, #tpu.memory_space<vmem>>, %arg12: memref<32x384xf32, #tpu.memory_space<vmem>>, %arg13: memref<384xf32, #tpu.memory_space<vmem>>, %arg14: memref<384xf32, #tpu.memory_space<vmem>>, %arg15: memref<16xf32, #tpu.memory_space<vmem>>) attributes {dimension_semantics = [#tpu.dimension_semantics<core_parallel>, #tpu.dimension_semantics<subcore_parallel>], iteration_bounds = array<i64: 2, 16>, scalar_prefetch = 0 : i64, scratch_operands = 7 : i64, tpu.core_type = #tpu.core_type<sc_vector_subcore>, window_params = [{transform_indices = #map}, {transform_indices = #map}, {transform_indices = #map1}, {transform_indices = #map1}, {transform_indices = #map1}, {transform_indices = #map}, {transform_indices = #map}]} {
    %mul3A = arith.constant 2 : i32
    %mul3A_0 = arith.muli %arg1, %mul3A : i32
    %add3A = arith.addi %mul3A_0, %arg0 : i32
    %mul3A_1 = arith.constant 512 : i32
    %mul3A_2 = arith.muli %add3A, %mul3A_1 : i32
    "tpu.region"() ({
      %run_scoped3A = tpu.sem_alloc : memref<!tpu.dma_semaphore, #tpu.memory_space<semaphore_mem>>
      tpu.enqueue_dma source(%arg4 : memref<384xf32, #tpu.memory_space<hbm>>) target(%arg13 : memref<384xf32, #tpu.memory_space<vmem>>) target_semaphore(%run_scoped3A : memref<!tpu.dma_semaphore, #tpu.memory_space<semaphore_mem>>)
      tpu.wait_dma2 semaphore(%run_scoped3A : memref<!tpu.dma_semaphore, #tpu.memory_space<semaphore_mem>>) src(%arg4 : memref<384xf32, #tpu.memory_space<hbm>>) dst(%arg13 : memref<384xf32, #tpu.memory_space<vmem>>)
      tpu.yield
    }) : () -> ()
    "tpu.region"() ({
      %run_scoped3A = tpu.sem_alloc : memref<!tpu.dma_semaphore, #tpu.memory_space<semaphore_mem>>
      tpu.enqueue_dma source(%arg5 : memref<384xf32, #tpu.memory_space<hbm>>) target(%arg14 : memref<384xf32, #tpu.memory_space<vmem>>) target_semaphore(%run_scoped3A : memref<!tpu.dma_semaphore, #tpu.memory_space<semaphore_mem>>)
      tpu.wait_dma2 semaphore(%run_scoped3A : memref<!tpu.dma_semaphore, #tpu.memory_space<semaphore_mem>>) src(%arg5 : memref<384xf32, #tpu.memory_space<hbm>>) dst(%arg14 : memref<384xf32, #tpu.memory_space<vmem>>)
      tpu.yield
    }) : () -> ()
    "tpu.region"() ({
      %run_scoped3A = tpu.sem_alloc : memref<!tpu.dma_semaphore, #tpu.memory_space<semaphore_mem>>
      tpu.enqueue_dma source(%arg6 : memref<16xf32, #tpu.memory_space<hbm>>) target(%arg15 : memref<16xf32, #tpu.memory_space<vmem>>) target_semaphore(%run_scoped3A : memref<!tpu.dma_semaphore, #tpu.memory_space<semaphore_mem>>)
      tpu.wait_dma2 semaphore(%run_scoped3A : memref<!tpu.dma_semaphore, #tpu.memory_space<semaphore_mem>>) src(%arg6 : memref<16xf32, #tpu.memory_space<hbm>>) dst(%arg15 : memref<16xf32, #tpu.memory_space<vmem>>)
      tpu.yield
    }) : () -> ()
    %get3A = arith.constant 0 : index
    %get3A_3 = tpu.vector_load %arg15[%get3A] {strides = array<i32>} : memref<16xf32, #tpu.memory_space<vmem>>, vector<16xf32>,
    %get3A_4 = vector.shape_cast %get3A_3 : vector<16xf32> to vector<16xf32>
    %get3A_5 = arith.constant 0 : index
    %get3A_6 = tpu.vector_load %arg13[%get3A_5] {strides = array<i32>} : memref<384xf32, #tpu.memory_space<vmem>>, vector<16xf32>,
    %get3A_7 = vector.shape_cast %get3A_6 : vector<16xf32> to vector<16xf32>
    %abs3A = math.absf %get3A_7 : vector<16xf32>
    %ge3A = arith.cmpf oge, %abs3A, %get3A_4 : vector<16xf32>
    %get3A_8 = arith.constant 16 : index
    %get3A_9 = tpu.vector_load %arg13[%get3A_8] {strides = array<i32>} : memref<384xf32, #tpu.memory_space<vmem>>, vector<16xf32>,
    %get3A_10 = vector.shape_cast %get3A_9 : vector<16xf32> to vector<16xf32>
    %abs3A_11 = math.absf %get3A_10 : vector<16xf32>
    %ge3A_12 = arith.cmpf oge, %abs3A_11, %get3A_4 : vector<16xf32>
    %get3A_13 = arith.constant 32 : index
    %get3A_14 = tpu.vector_load %arg13[%get3A_13] {strides = array<i32>} : memref<384xf32, #tpu.memory_space<vmem>>, vector<16xf32>,
    %get3A_15 = vector.shape_cast %get3A_14 : vector<16xf32> to vector<16xf32>
    %abs3A_16 = math.absf %get3A_15 : vector<16xf32>
    %ge3A_17 = arith.cmpf oge, %abs3A_16, %get3A_4 : vector<16xf32>
    %get3A_18 = arith.constant 48 : index
    %get3A_19 = tpu.vector_load %arg13[%get3A_18] {strides = array<i32>} : memref<384xf32, #tpu.memory_space<vmem>>, vector<16xf32>,
    %get3A_20 = vector.shape_cast %get3A_19 : vector<16xf32> to vector<16xf32>
    %abs3A_21 = math.absf %get3A_20 : vector<16xf32>
    %ge3A_22 = arith.cmpf oge, %abs3A_21, %get3A_4 : vector<16xf32>
    %get3A_23 = arith.constant 64 : index
    %get3A_24 = tpu.vector_load %arg13[%get3A_23] {strides = array<i32>} : memref<384xf32, #tpu.memory_space<vmem>>, vector<16xf32>,
    %get3A_25 = vector.shape_cast %get3A_24 : vector<16xf32> to vector<16xf32>
    %abs3A_26 = math.absf %get3A_25 : vector<16xf32>
    %ge3A_27 = arith.cmpf oge, %abs3A_26, %get3A_4 : vector<16xf32>
    %get3A_28 = arith.constant 80 : index
    %get3A_29 = tpu.vector_load %arg13[%get3A_28] {strides = array<i32>} : memref<384xf32, #tpu.memory_space<vmem>>, vector<16xf32>,
    %get3A_30 = vector.shape_cast %get3A_29 : vector<16xf32> to vector<16xf32>
    %abs3A_31 = math.absf %get3A_30 : vector<16xf32>
    %ge3A_32 = arith.cmpf oge, %abs3A_31, %get3A_4 : vector<16xf32>
    %get3A_33 = arith.constant 96 : index
    %get3A_34 = tpu.vector_load %arg13[%get3A_33] {strides = array<i32>} : memref<384xf32, #tpu.memory_space<vmem>>, vector<16xf32>,
    %get3A_35 = vector.shape_cast %get3A_34 : vector<16xf32> to vector<16xf32>
    %abs3A_36 = math.absf %get3A_35 : vector<16xf32>
    %ge3A_37 = arith.cmpf oge, %abs3A_36, %get3A_4 : vector<16xf32>
    %get3A_38 = arith.constant 112 : index
    %get3A_39 = tpu.vector_load %arg13[%get3A_38] {strides = array<i32>} : memref<384xf32, #tpu.memory_space<vmem>>, vector<16xf32>,
    %get3A_40 = vector.shape_cast %get3A_39 : vector<16xf32> to vector<16xf32>
    %abs3A_41 = math.absf %get3A_40 : vector<16xf32>
    %ge3A_42 = arith.cmpf oge, %abs3A_41, %get3A_4 : vector<16xf32>
    %get3A_43 = arith.constant 128 : index
    %get3A_44 = tpu.vector_load %arg13[%get3A_43] {strides = array<i32>} : memref<384xf32, #tpu.memory_space<vmem>>, vector<16xf32>,
    %get3A_45 = vector.shape_cast %get3A_44 : vector<16xf32> to vector<16xf32>
    %abs3A_46 = math.absf %get3A_45 : vector<16xf32>
    %ge3A_47 = arith.cmpf oge, %abs3A_46, %get3A_4 : vector<16xf32>
    %get3A_48 = arith.constant 144 : index
    %get3A_49 = tpu.vector_load %arg13[%get3A_48] {strides = array<i32>} : memref<384xf32, #tpu.memory_space<vmem>>, vector<16xf32>,
    %get3A_50 = vector.shape_cast %get3A_49 : vector<16xf32> to vector<16xf32>
    %abs3A_51 = math.absf %get3A_50 : vector<16xf32>
    %ge3A_52 = arith.cmpf oge, %abs3A_51, %get3A_4 : vector<16xf32>
    %get3A_53 = arith.constant 160 : index
    %get3A_54 = tpu.vector_load %arg13[%get3A_53] {strides = array<i32>} : memref<384xf32, #tpu.memory_space<vmem>>, vector<16xf32>,
    %get3A_55 = vector.shape_cast %get3A_54 : vector<16xf32> to vector<16xf32>
    %abs3A_56 = math.absf %get3A_55 : vector<16xf32>
    %ge3A_57 = arith.cmpf oge, %abs3A_56, %get3A_4 : vector<16xf32>
    %get3A_58 = arith.constant 176 : index
    %get3A_59 = tpu.vector_load %arg13[%get3A_58] {strides = array<i32>} : memref<384xf32, #tpu.memory_space<vmem>>, vector<16xf32>,
    %get3A_60 = vector.shape_cast %get3A_59 : vector<16xf32> to vector<16xf32>
    %abs3A_61 = math.absf %get3A_60 : vector<16xf32>
    %ge3A_62 = arith.cmpf oge, %abs3A_61, %get3A_4 : vector<16xf32>
    %get3A_63 = arith.constant 192 : index
    %get3A_64 = tpu.vector_load %arg13[%get3A_63] {strides = array<i32>} : memref<384xf32, #tpu.memory_space<vmem>>, vector<16xf32>,
    %get3A_65 = vector.shape_cast %get3A_64 : vector<16xf32> to vector<16xf32>
    %abs3A_66 = math.absf %get3A_65 : vector<16xf32>
    %ge3A_67 = arith.cmpf oge, %abs3A_66, %get3A_4 : vector<16xf32>
    %get3A_68 = arith.constant 208 : index
    %get3A_69 = tpu.vector_load %arg13[%get3A_68] {strides = array<i32>} : memref<384xf32, #tpu.memory_space<vmem>>, vector<16xf32>,
    %get3A_70 = vector.shape_cast %get3A_69 : vector<16xf32> to vector<16xf32>
    %abs3A_71 = math.absf %get3A_70 : vector<16xf32>
    %ge3A_72 = arith.cmpf oge, %abs3A_71, %get3A_4 : vector<16xf32>
    %get3A_73 = arith.constant 224 : index
    %get3A_74 = tpu.vector_load %arg13[%get3A_73] {strides = array<i32>} : memref<384xf32, #tpu.memory_space<vmem>>, vector<16xf32>,
    %get3A_75 = vector.shape_cast %get3A_74 : vector<16xf32> to vector<16xf32>
    %abs3A_76 = math.absf %get3A_75 : vector<16xf32>
    %ge3A_77 = arith.cmpf oge, %abs3A_76, %get3A_4 : vector<16xf32>
    %get3A_78 = arith.constant 240 : index
    %get3A_79 = tpu.vector_load %arg13[%get3A_78] {strides = array<i32>} : memref<384xf32, #tpu.memory_space<vmem>>, vector<16xf32>,
    %get3A_80 = vector.shape_cast %get3A_79 : vector<16xf32> to vector<16xf32>
    %abs3A_81 = math.absf %get3A_80 : vector<16xf32>
    %ge3A_82 = arith.cmpf oge, %abs3A_81, %get3A_4 : vector<16xf32>
    %get3A_83 = arith.constant 256 : index
    %get3A_84 = tpu.vector_load %arg13[%get3A_83] {strides = array<i32>} : memref<384xf32, #tpu.memory_space<vmem>>, vector<16xf32>,
    %get3A_85 = vector.shape_cast %get3A_84 : vector<16xf32> to vector<16xf32>
    %abs3A_86 = math.absf %get3A_85 : vector<16xf32>
    %ge3A_87 = arith.cmpf oge, %abs3A_86, %get3A_4 : vector<16xf32>
    %get3A_88 = arith.constant 272 : index
    %get3A_89 = tpu.vector_load %arg13[%get3A_88] {strides = array<i32>} : memref<384xf32, #tpu.memory_space<vmem>>, vector<16xf32>,
    %get3A_90 = vector.shape_cast %get3A_89 : vector<16xf32> to vector<16xf32>
    %abs3A_91 = math.absf %get3A_90 : vector<16xf32>
    %ge3A_92 = arith.cmpf oge, %abs3A_91, %get3A_4 : vector<16xf32>
    %get3A_93 = arith.constant 288 : index
    %get3A_94 = tpu.vector_load %arg13[%get3A_93] {strides = array<i32>} : memref<384xf32, #tpu.memory_space<vmem>>, vector<16xf32>,
    %get3A_95 = vector.shape_cast %get3A_94 : vector<16xf32> to vector<16xf32>
    %abs3A_96 = math.absf %get3A_95 : vector<16xf32>
    %ge3A_97 = arith.cmpf oge, %abs3A_96, %get3A_4 : vector<16xf32>
    %get3A_98 = arith.constant 304 : index
    %get3A_99 = tpu.vector_load %arg13[%get3A_98] {strides = array<i32>} : memref<384xf32, #tpu.memory_space<vmem>>, vector<16xf32>,
    %get3A_100 = vector.shape_cast %get3A_99 : vector<16xf32> to vector<16xf32>
    %abs3A_101 = math.absf %get3A_100 : vector<16xf32>
    %ge3A_102 = arith.cmpf oge, %abs3A_101, %get3A_4 : vector<16xf32>
    %get3A_103 = arith.constant 320 : index
    %get3A_104 = tpu.vector_load %arg13[%get3A_103] {strides = array<i32>} : memref<384xf32, #tpu.memory_space<vmem>>, vector<16xf32>,
    %get3A_105 = vector.shape_cast %get3A_104 : vector<16xf32> to vector<16xf32>
    %abs3A_106 = math.absf %get3A_105 : vector<16xf32>
    %ge3A_107 = arith.cmpf oge, %abs3A_106, %get3A_4 : vector<16xf32>
    %get3A_108 = arith.constant 336 : index
    %get3A_109 = tpu.vector_load %arg13[%get3A_108] {strides = array<i32>} : memref<384xf32, #tpu.memory_space<vmem>>, vector<16xf32>,
    %get3A_110 = vector.shape_cast %get3A_109 : vector<16xf32> to vector<16xf32>
    %abs3A_111 = math.absf %get3A_110 : vector<16xf32>
    %ge3A_112 = arith.cmpf oge, %abs3A_111, %get3A_4 : vector<16xf32>
    %get3A_113 = arith.constant 352 : index
    %get3A_114 = tpu.vector_load %arg13[%get3A_113] {strides = array<i32>} : memref<384xf32, #tpu.memory_space<vmem>>, vector<16xf32>,
    %get3A_115 = vector.shape_cast %get3A_114 : vector<16xf32> to vector<16xf32>
    %abs3A_116 = math.absf %get3A_115 : vector<16xf32>
    %ge3A_117 = arith.cmpf oge, %abs3A_116, %get3A_4 : vector<16xf32>
    %get3A_118 = arith.constant 368 : index
    %get3A_119 = tpu.vector_load %arg13[%get3A_118] {strides = array<i32>} : memref<384xf32, #tpu.memory_space<vmem>>, vector<16xf32>,
    %get3A_120 = vector.shape_cast %get3A_119 : vector<16xf32> to vector<16xf32>
    %abs3A_121 = math.absf %get3A_120 : vector<16xf32>
    %ge3A_122 = arith.cmpf oge, %abs3A_121, %get3A_4 : vector<16xf32>
    %get3A_123 = arith.constant 0 : index
    %get3A_124 = tpu.vector_load %arg14[%get3A_123] {strides = array<i32>} : memref<384xf32, #tpu.memory_space<vmem>>, vector<16xf32>,
    %get3A_125 = vector.shape_cast %get3A_124 : vector<16xf32> to vector<16xf32>
    %abs3A_126 = math.absf %get3A_125 : vector<16xf32>
    %ge3A_127 = arith.cmpf oge, %abs3A_126, %get3A_4 : vector<16xf32>
    %get3A_128 = arith.constant 16 : index
    %get3A_129 = tpu.vector_load %arg14[%get3A_128] {strides = array<i32>} : memref<384xf32, #tpu.memory_space<vmem>>, vector<16xf32>,
    %get3A_130 = vector.shape_cast %get3A_129 : vector<16xf32> to vector<16xf32>
    %abs3A_131 = math.absf %get3A_130 : vector<16xf32>
    %ge3A_132 = arith.cmpf oge, %abs3A_131, %get3A_4 : vector<16xf32>
    %get3A_133 = arith.constant 32 : index
    %get3A_134 = tpu.vector_load %arg14[%get3A_133] {strides = array<i32>} : memref<384xf32, #tpu.memory_space<vmem>>, vector<16xf32>,
    %get3A_135 = vector.shape_cast %get3A_134 : vector<16xf32> to vector<16xf32>
    %abs3A_136 = math.absf %get3A_135 : vector<16xf32>
    %ge3A_137 = arith.cmpf oge, %abs3A_136, %get3A_4 : vector<16xf32>
    %get3A_138 = arith.constant 48 : index
    %get3A_139 = tpu.vector_load %arg14[%get3A_138] {strides = array<i32>} : memref<384xf32, #tpu.memory_space<vmem>>, vector<16xf32>,
    %get3A_140 = vector.shape_cast %get3A_139 : vector<16xf32> to vector<16xf32>
    %abs3A_141 = math.absf %get3A_140 : vector<16xf32>
    %ge3A_142 = arith.cmpf oge, %abs3A_141, %get3A_4 : vector<16xf32>
    %get3A_143 = arith.constant 64 : index
    %get3A_144 = tpu.vector_load %arg14[%get3A_143] {strides = array<i32>} : memref<384xf32, #tpu.memory_space<vmem>>, vector<16xf32>,
    %get3A_145 = vector.shape_cast %get3A_144 : vector<16xf32> to vector<16xf32>
    %abs3A_146 = math.absf %get3A_145 : vector<16xf32>
    %ge3A_147 = arith.cmpf oge, %abs3A_146, %get3A_4 : vector<16xf32>
    %get3A_148 = arith.constant 80 : index
    %get3A_149 = tpu.vector_load %arg14[%get3A_148] {strides = array<i32>} : memref<384xf32, #tpu.memory_space<vmem>>, vector<16xf32>,
    %get3A_150 = vector.shape_cast %get3A_149 : vector<16xf32> to vector<16xf32>
    %abs3A_151 = math.absf %get3A_150 : vector<16xf32>
    %ge3A_152 = arith.cmpf oge, %abs3A_151, %get3A_4 : vector<16xf32>
    %get3A_153 = arith.constant 96 : index
    %get3A_154 = tpu.vector_load %arg14[%get3A_153] {strides = array<i32>} : memref<384xf32, #tpu.memory_space<vmem>>, vector<16xf32>,
    %get3A_155 = vector.shape_cast %get3A_154 : vector<16xf32> to vector<16xf32>
    %abs3A_156 = math.absf %get3A_155 : vector<16xf32>
    %ge3A_157 = arith.cmpf oge, %abs3A_156, %get3A_4 : vector<16xf32>
    %get3A_158 = arith.constant 112 : index
    %get3A_159 = tpu.vector_load %arg14[%get3A_158] {strides = array<i32>} : memref<384xf32, #tpu.memory_space<vmem>>, vector<16xf32>,
    %get3A_160 = vector.shape_cast %get3A_159 : vector<16xf32> to vector<16xf32>
    %abs3A_161 = math.absf %get3A_160 : vector<16xf32>
    %ge3A_162 = arith.cmpf oge, %abs3A_161, %get3A_4 : vector<16xf32>
    %get3A_163 = arith.constant 128 : index
    %get3A_164 = tpu.vector_load %arg14[%get3A_163] {strides = array<i32>} : memref<384xf32, #tpu.memory_space<vmem>>, vector<16xf32>,
    %get3A_165 = vector.shape_cast %get3A_164 : vector<16xf32> to vector<16xf32>
    %abs3A_166 = math.absf %get3A_165 : vector<16xf32>
    %ge3A_167 = arith.cmpf oge, %abs3A_166, %get3A_4 : vector<16xf32>
    %get3A_168 = arith.constant 144 : index
    %get3A_169 = tpu.vector_load %arg14[%get3A_168] {strides = array<i32>} : memref<384xf32, #tpu.memory_space<vmem>>, vector<16xf32>,
    %get3A_170 = vector.shape_cast %get3A_169 : vector<16xf32> to vector<16xf32>
    %abs3A_171 = math.absf %get3A_170 : vector<16xf32>
    %ge3A_172 = arith.cmpf oge, %abs3A_171, %get3A_4 : vector<16xf32>
    %get3A_173 = arith.constant 160 : index
    %get3A_174 = tpu.vector_load %arg14[%get3A_173] {strides = array<i32>} : memref<384xf32, #tpu.memory_space<vmem>>, vector<16xf32>,
    %get3A_175 = vector.shape_cast %get3A_174 : vector<16xf32> to vector<16xf32>
    %abs3A_176 = math.absf %get3A_175 : vector<16xf32>
    %ge3A_177 = arith.cmpf oge, %abs3A_176, %get3A_4 : vector<16xf32>
    %get3A_178 = arith.constant 176 : index
    %get3A_179 = tpu.vector_load %arg14[%get3A_178] {strides = array<i32>} : memref<384xf32, #tpu.memory_space<vmem>>, vector<16xf32>,
    %get3A_180 = vector.shape_cast %get3A_179 : vector<16xf32> to vector<16xf32>
    %abs3A_181 = math.absf %get3A_180 : vector<16xf32>
    %ge3A_182 = arith.cmpf oge, %abs3A_181, %get3A_4 : vector<16xf32>
    %get3A_183 = arith.constant 192 : index
    %get3A_184 = tpu.vector_load %arg14[%get3A_183] {strides = array<i32>} : memref<384xf32, #tpu.memory_space<vmem>>, vector<16xf32>,
    %get3A_185 = vector.shape_cast %get3A_184 : vector<16xf32> to vector<16xf32>
    %abs3A_186 = math.absf %get3A_185 : vector<16xf32>
    %ge3A_187 = arith.cmpf oge, %abs3A_186, %get3A_4 : vector<16xf32>
    %get3A_188 = arith.constant 208 : index
    %get3A_189 = tpu.vector_load %arg14[%get3A_188] {strides = array<i32>} : memref<384xf32, #tpu.memory_space<vmem>>, vector<16xf32>,
    %get3A_190 = vector.shape_cast %get3A_189 : vector<16xf32> to vector<16xf32>
    %abs3A_191 = math.absf %get3A_190 : vector<16xf32>
    %ge3A_192 = arith.cmpf oge, %abs3A_191, %get3A_4 : vector<16xf32>
    %get3A_193 = arith.constant 224 : index
    %get3A_194 = tpu.vector_load %arg14[%get3A_193] {strides = array<i32>} : memref<384xf32, #tpu.memory_space<vmem>>, vector<16xf32>,
    %get3A_195 = vector.shape_cast %get3A_194 : vector<16xf32> to vector<16xf32>
    %abs3A_196 = math.absf %get3A_195 : vector<16xf32>
    %ge3A_197 = arith.cmpf oge, %abs3A_196, %get3A_4 : vector<16xf32>
    %get3A_198 = arith.constant 240 : index
    %get3A_199 = tpu.vector_load %arg14[%get3A_198] {strides = array<i32>} : memref<384xf32, #tpu.memory_space<vmem>>, vector<16xf32>,
    %get3A_200 = vector.shape_cast %get3A_199 : vector<16xf32> to vector<16xf32>
    %abs3A_201 = math.absf %get3A_200 : vector<16xf32>
    %ge3A_202 = arith.cmpf oge, %abs3A_201, %get3A_4 : vector<16xf32>
    %get3A_203 = arith.constant 256 : index
    %get3A_204 = tpu.vector_load %arg14[%get3A_203] {strides = array<i32>} : memref<384xf32, #tpu.memory_space<vmem>>, vector<16xf32>,
    %get3A_205 = vector.shape_cast %get3A_204 : vector<16xf32> to vector<16xf32>
    %abs3A_206 = math.absf %get3A_205 : vector<16xf32>
    %ge3A_207 = arith.cmpf oge, %abs3A_206, %get3A_4 : vector<16xf32>
    %get3A_208 = arith.constant 272 : index
    %get3A_209 = tpu.vector_load %arg14[%get3A_208] {strides = array<i32>} : memref<384xf32, #tpu.memory_space<vmem>>, vector<16xf32>,
    %get3A_210 = vector.shape_cast %get3A_209 : vector<16xf32> to vector<16xf32>
    %abs3A_211 = math.absf %get3A_210 : vector<16xf32>
    %ge3A_212 = arith.cmpf oge, %abs3A_211, %get3A_4 : vector<16xf32>
    %get3A_213 = arith.constant 288 : index
    %get3A_214 = tpu.vector_load %arg14[%get3A_213] {strides = array<i32>} : memref<384xf32, #tpu.memory_space<vmem>>, vector<16xf32>,
    %get3A_215 = vector.shape_cast %get3A_214 : vector<16xf32> to vector<16xf32>
    %abs3A_216 = math.absf %get3A_215 : vector<16xf32>
    %ge3A_217 = arith.cmpf oge, %abs3A_216, %get3A_4 : vector<16xf32>
    %get3A_218 = arith.constant 304 : index
    %get3A_219 = tpu.vector_load %arg14[%get3A_218] {strides = array<i32>} : memref<384xf32, #tpu.memory_space<vmem>>, vector<16xf32>,
    %get3A_220 = vector.shape_cast %get3A_219 : vector<16xf32> to vector<16xf32>
    %abs3A_221 = math.absf %get3A_220 : vector<16xf32>
    %ge3A_222 = arith.cmpf oge, %abs3A_221, %get3A_4 : vector<16xf32>
    %get3A_223 = arith.constant 320 : index
    %get3A_224 = tpu.vector_load %arg14[%get3A_223] {strides = array<i32>} : memref<384xf32, #tpu.memory_space<vmem>>, vector<16xf32>,
    %get3A_225 = vector.shape_cast %get3A_224 : vector<16xf32> to vector<16xf32>
    %abs3A_226 = math.absf %get3A_225 : vector<16xf32>
    %ge3A_227 = arith.cmpf oge, %abs3A_226, %get3A_4 : vector<16xf32>
    %get3A_228 = arith.constant 336 : index
    %get3A_229 = tpu.vector_load %arg14[%get3A_228] {strides = array<i32>} : memref<384xf32, #tpu.memory_space<vmem>>, vector<16xf32>,
    %get3A_230 = vector.shape_cast %get3A_229 : vector<16xf32> to vector<16xf32>
    %abs3A_231 = math.absf %get3A_230 : vector<16xf32>
    %ge3A_232 = arith.cmpf oge, %abs3A_231, %get3A_4 : vector<16xf32>
    %get3A_233 = arith.constant 352 : index
    %get3A_234 = tpu.vector_load %arg14[%get3A_233] {strides = array<i32>} : memref<384xf32, #tpu.memory_space<vmem>>, vector<16xf32>,
    %get3A_235 = vector.shape_cast %get3A_234 : vector<16xf32> to vector<16xf32>
    %abs3A_236 = math.absf %get3A_235 : vector<16xf32>
    %ge3A_237 = arith.cmpf oge, %abs3A_236, %get3A_4 : vector<16xf32>
    %get3A_238 = arith.constant 368 : index
    %get3A_239 = tpu.vector_load %arg14[%get3A_238] {strides = array<i32>} : memref<384xf32, #tpu.memory_space<vmem>>, vector<16xf32>,
    %get3A_240 = vector.shape_cast %get3A_239 : vector<16xf32> to vector<16xf32>
    %abs3A_241 = math.absf %get3A_240 : vector<16xf32>
    %ge3A_242 = arith.cmpf oge, %abs3A_241, %get3A_4 : vector<16xf32>
    %scan3A = arith.constant 0 : i32
    %scan3A_243 = arith.constant 0 : i32
    %scan3A_244 = arith.constant 16 : i32
    %scan3A_245 = arith.addi %scan3A_243, %scan3A_244 : i32
    %scan3A_246 = arith.constant 1 : i32
    scf.for %scan3A_248 = %scan3A_243 to %scan3A_245 step %scan3A_246  : i32 {
      %mul3A_249 = arith.constant 32 : i32
      %mul3A_250 = arith.muli %scan3A_248, %mul3A_249 : i32
      %add3A_251 = arith.addi %mul3A_2, %mul3A_250 : i32
      "tpu.region"() ({
        %run_scoped3A = tpu.sem_alloc : memref<!tpu.dma_semaphore, #tpu.memory_space<semaphore_mem>>
        %dma_start3A = arith.constant 0 : i32
        %dma_start3A_258 = tpu.memref_slice %arg2[%add3A_251, %dma_start3A] : memref<16384x384xf32, #tpu.memory_space<hbm>> -> memref<32x384xf32, #tpu.memory_space<hbm>>
        %dma_start3A_259 = arith.constant 0 : i32
        %dma_start3A_260 = tpu.memref_slice %arg2[%add3A_251, %dma_start3A_259] : memref<16384x384xf32, #tpu.memory_space<hbm>> -> memref<32x384xf32, #tpu.memory_space<hbm>>
        tpu.enqueue_dma source(%dma_start3A_260 : memref<32x384xf32, #tpu.memory_space<hbm>>) target(%arg9 : memref<32x384xf32, #tpu.memory_space<vmem>>) target_semaphore(%run_scoped3A : memref<!tpu.dma_semaphore, #tpu.memory_space<semaphore_mem>>)
        %dma_wait3A = arith.constant 0 : i32
        %dma_wait3A_261 = tpu.memref_slice %arg2[%add3A_251, %dma_wait3A] : memref<16384x384xf32, #tpu.memory_space<hbm>> -> memref<32x384xf32, #tpu.memory_space<hbm>>
        %dma_wait3A_262 = arith.constant 0 : i32
        %dma_wait3A_263 = tpu.memref_slice %arg2[%add3A_251, %dma_wait3A_262] : memref<16384x384xf32, #tpu.memory_space<hbm>> -> memref<32x384xf32, #tpu.memory_space<hbm>>
        tpu.wait_dma2 semaphore(%run_scoped3A : memref<!tpu.dma_semaphore, #tpu.memory_space<semaphore_mem>>) src(%dma_wait3A_263 : memref<32x384xf32, #tpu.memory_space<hbm>>) dst(%arg9 : memref<32x384xf32, #tpu.memory_space<vmem>>)
        tpu.yield
      }) : () -> ()
      "tpu.region"() ({
        %run_scoped3A = tpu.sem_alloc : memref<!tpu.dma_semaphore, #tpu.memory_space<semaphore_mem>>
        %dma_start3A = arith.constant 0 : i32
        %dma_start3A_258 = tpu.memref_slice %arg3[%add3A_251, %dma_start3A] : memref<16384x384xf32, #tpu.memory_space<hbm>> -> memref<32x384xf32, #tpu.memory_space<hbm>>
        %dma_start3A_259 = arith.constant 0 : i32
        %dma_start3A_260 = tpu.memref_slice %arg3[%add3A_251, %dma_start3A_259] : memref<16384x384xf32, #tpu.memory_space<hbm>> -> memref<32x384xf32, #tpu.memory_space<hbm>>
        tpu.enqueue_dma source(%dma_start3A_260 : memref<32x384xf32, #tpu.memory_space<hbm>>) target(%arg10 : memref<32x384xf32, #tpu.memory_space<vmem>>) target_semaphore(%run_scoped3A : memref<!tpu.dma_semaphore, #tpu.memory_space<semaphore_mem>>)
        %dma_wait3A = arith.constant 0 : i32
        %dma_wait3A_261 = tpu.memref_slice %arg3[%add3A_251, %dma_wait3A] : memref<16384x384xf32, #tpu.memory_space<hbm>> -> memref<32x384xf32, #tpu.memory_space<hbm>>
        %dma_wait3A_262 = arith.constant 0 : i32
        %dma_wait3A_263 = tpu.memref_slice %arg3[%add3A_251, %dma_wait3A_262] : memref<16384x384xf32, #tpu.memory_space<hbm>> -> memref<32x384xf32, #tpu.memory_space<hbm>>
        tpu.wait_dma2 semaphore(%run_scoped3A : memref<!tpu.dma_semaphore, #tpu.memory_space<semaphore_mem>>) src(%dma_wait3A_263 : memref<32x384xf32, #tpu.memory_space<hbm>>) dst(%arg10 : memref<32x384xf32, #tpu.memory_space<vmem>>)
        tpu.yield
      }) : () -> ()
      %scan3A_252 = arith.constant 0 : i32
      %scan3A_253 = arith.constant 0 : i32
      %scan3A_254 = arith.constant 32 : i32
      %scan3A_255 = arith.addi %scan3A_253, %scan3A_254 : i32
      %scan3A_256 = arith.constant 1 : i32
      scf.for %scan3A_258 = %scan3A_253 to %scan3A_255 step %scan3A_256  : i32 {
        %get3A_259 = arith.index_cast %scan3A_258 : i32 to index
        %get3A_260 = arith.constant 0 : index
        %get3A_261 = tpu.vector_load %arg9[%get3A_259, %get3A_260] {strides = array<i32>} : memref<32x384xf32, #tpu.memory_space<vmem>>, vector<1x16xf32>,
        %get3A_262 = vector.shape_cast %get3A_261 : vector<1x16xf32> to vector<16xf32>
        %get3A_263 = arith.index_cast %scan3A_258 : i32 to index
        %get3A_264 = arith.constant 0 : index
        %get3A_265 = tpu.vector_load %arg10[%get3A_263, %get3A_264] {strides = array<i32>} : memref<32x384xf32, #tpu.memory_space<vmem>>, vector<1x16xf32>,
        %get3A_266 = vector.shape_cast %get3A_265 : vector<1x16xf32> to vector<16xf32>
        %select_n3A = arith.select %ge3A, %get3A_262, %get3A_266 : vector<16xi1>, vector<16xf32>
        %swap3A = arith.index_cast %scan3A_258 : i32 to index
        %swap3A_267 = arith.constant 0 : index
        %swap3A_268 = tpu.vector_load %arg11[%swap3A, %swap3A_267] {strides = array<i32>} : memref<32x384xf32, #tpu.memory_space<vmem>>, vector<1x16xf32>,
        %swap3A_269 = vector.shape_cast %swap3A_268 : vector<1x16xf32> to vector<16xf32>
        %swap3A_270 = vector.shape_cast %select_n3A : vector<16xf32> to vector<1x16xf32>
        tpu.vector_store %arg11[%swap3A, %swap3A_267], %swap3A_270 {strides = array<i32>} : memref<32x384xf32, #tpu.memory_space<vmem>>, vector<1x16xf32>,
        %select_n3A_271 = arith.select %ge3A_127, %get3A_266, %get3A_262 : vector<16xi1>, vector<16xf32>
        %swap3A_272 = arith.index_cast %scan3A_258 : i32 to index
        %swap3A_273 = arith.constant 0 : index
        %swap3A_274 = tpu.vector_load %arg12[%swap3A_272, %swap3A_273] {strides = array<i32>} : memref<32x384xf32, #tpu.memory_space<vmem>>, vector<1x16xf32>,
        %swap3A_275 = vector.shape_cast %swap3A_274 : vector<1x16xf32> to vector<16xf32>
        %swap3A_276 = vector.shape_cast %select_n3A_271 : vector<16xf32> to vector<1x16xf32>
        tpu.vector_store %arg12[%swap3A_272, %swap3A_273], %swap3A_276 {strides = array<i32>} : memref<32x384xf32, #tpu.memory_space<vmem>>, vector<1x16xf32>,
        %get3A_277 = arith.index_cast %scan3A_258 : i32 to index
        %get3A_278 = arith.constant 16 : index
        %get3A_279 = tpu.vector_load %arg9[%get3A_277, %get3A_278] {strides = array<i32>} : memref<32x384xf32, #tpu.memory_space<vmem>>, vector<1x16xf32>,
        %get3A_280 = vector.shape_cast %get3A_279 : vector<1x16xf32> to vector<16xf32>
        %get3A_281 = arith.index_cast %scan3A_258 : i32 to index
        %get3A_282 = arith.constant 16 : index
        %get3A_283 = tpu.vector_load %arg10[%get3A_281, %get3A_282] {strides = array<i32>} : memref<32x384xf32, #tpu.memory_space<vmem>>, vector<1x16xf32>,
        %get3A_284 = vector.shape_cast %get3A_283 : vector<1x16xf32> to vector<16xf32>
        %select_n3A_285 = arith.select %ge3A_12, %get3A_280, %get3A_284 : vector<16xi1>, vector<16xf32>
        %swap3A_286 = arith.index_cast %scan3A_258 : i32 to index
        %swap3A_287 = arith.constant 16 : index
        %swap3A_288 = tpu.vector_load %arg11[%swap3A_286, %swap3A_287] {strides = array<i32>} : memref<32x384xf32, #tpu.memory_space<vmem>>, vector<1x16xf32>,
        %swap3A_289 = vector.shape_cast %swap3A_288 : vector<1x16xf32> to vector<16xf32>
        %swap3A_290 = vector.shape_cast %select_n3A_285 : vector<16xf32> to vector<1x16xf32>
        tpu.vector_store %arg11[%swap3A_286, %swap3A_287], %swap3A_290 {strides = array<i32>} : memref<32x384xf32, #tpu.memory_space<vmem>>, vector<1x16xf32>,
        %select_n3A_291 = arith.select %ge3A_132, %get3A_284, %get3A_280 : vector<16xi1>, vector<16xf32>
        %swap3A_292 = arith.index_cast %scan3A_258 : i32 to index
        %swap3A_293 = arith.constant 16 : index
        %swap3A_294 = tpu.vector_load %arg12[%swap3A_292, %swap3A_293] {strides = array<i32>} : memref<32x384xf32, #tpu.memory_space<vmem>>, vector<1x16xf32>,
        %swap3A_295 = vector.shape_cast %swap3A_294 : vector<1x16xf32> to vector<16xf32>
        %swap3A_296 = vector.shape_cast %select_n3A_291 : vector<16xf32> to vector<1x16xf32>
        tpu.vector_store %arg12[%swap3A_292, %swap3A_293], %swap3A_296 {strides = array<i32>} : memref<32x384xf32, #tpu.memory_space<vmem>>, vector<1x16xf32>,
        %get3A_297 = arith.index_cast %scan3A_258 : i32 to index
        %get3A_298 = arith.constant 32 : index
        %get3A_299 = tpu.vector_load %arg9[%get3A_297, %get3A_298] {strides = array<i32>} : memref<32x384xf32, #tpu.memory_space<vmem>>, vector<1x16xf32>,
        %get3A_300 = vector.shape_cast %get3A_299 : vector<1x16xf32> to vector<16xf32>
        %get3A_301 = arith.index_cast %scan3A_258 : i32 to index
        %get3A_302 = arith.constant 32 : index
        %get3A_303 = tpu.vector_load %arg10[%get3A_301, %get3A_302] {strides = array<i32>} : memref<32x384xf32, #tpu.memory_space<vmem>>, vector<1x16xf32>,
        %get3A_304 = vector.shape_cast %get3A_303 : vector<1x16xf32> to vector<16xf32>
        %select_n3A_305 = arith.select %ge3A_17, %get3A_300, %get3A_304 : vector<16xi1>, vector<16xf32>
        %swap3A_306 = arith.index_cast %scan3A_258 : i32 to index
        %swap3A_307 = arith.constant 32 : index
        %swap3A_308 = tpu.vector_load %arg11[%swap3A_306, %swap3A_307] {strides = array<i32>} : memref<32x384xf32, #tpu.memory_space<vmem>>, vector<1x16xf32>,
        %swap3A_309 = vector.shape_cast %swap3A_308 : vector<1x16xf32> to vector<16xf32>
        %swap3A_310 = vector.shape_cast %select_n3A_305 : vector<16xf32> to vector<1x16xf32>
        tpu.vector_store %arg11[%swap3A_306, %swap3A_307], %swap3A_310 {strides = array<i32>} : memref<32x384xf32, #tpu.memory_space<vmem>>, vector<1x16xf32>,
        %select_n3A_311 = arith.select %ge3A_137, %get3A_304, %get3A_300 : vector<16xi1>, vector<16xf32>
        %swap3A_312 = arith.index_cast %scan3A_258 : i32 to index
        %swap3A_313 = arith.constant 32 : index
        %swap3A_314 = tpu.vector_load %arg12[%swap3A_312, %swap3A_313] {strides = array<i32>} : memref<32x384xf32, #tpu.memory_space<vmem>>, vector<1x16xf32>,
        %swap3A_315 = vector.shape_cast %swap3A_314 : vector<1x16xf32> to vector<16xf32>
        %swap3A_316 = vector.shape_cast %select_n3A_311 : vector<16xf32> to vector<1x16xf32>
        tpu.vector_store %arg12[%swap3A_312, %swap3A_313], %swap3A_316 {strides = array<i32>} : memref<32x384xf32, #tpu.memory_space<vmem>>, vector<1x16xf32>,
        %get3A_317 = arith.index_cast %scan3A_258 : i32 to index
        %get3A_318 = arith.constant 48 : index
        %get3A_319 = tpu.vector_load %arg9[%get3A_317, %get3A_318] {strides = array<i32>} : memref<32x384xf32, #tpu.memory_space<vmem>>, vector<1x16xf32>,
        %get3A_320 = vector.shape_cast %get3A_319 : vector<1x16xf32> to vector<16xf32>
        %get3A_321 = arith.index_cast %scan3A_258 : i32 to index
        %get3A_322 = arith.constant 48 : index
        %get3A_323 = tpu.vector_load %arg10[%get3A_321, %get3A_322] {strides = array<i32>} : memref<32x384xf32, #tpu.memory_space<vmem>>, vector<1x16xf32>,
        %get3A_324 = vector.shape_cast %get3A_323 : vector<1x16xf32> to vector<16xf32>
        %select_n3A_325 = arith.select %ge3A_22, %get3A_320, %get3A_324 : vector<16xi1>, vector<16xf32>
        %swap3A_326 = arith.index_cast %scan3A_258 : i32 to index
        %swap3A_327 = arith.constant 48 : index
        %swap3A_328 = tpu.vector_load %arg11[%swap3A_326, %swap3A_327] {strides = array<i32>} : memref<32x384xf32, #tpu.memory_space<vmem>>, vector<1x16xf32>,
        %swap3A_329 = vector.shape_cast %swap3A_328 : vector<1x16xf32> to vector<16xf32>
        %swap3A_330 = vector.shape_cast %select_n3A_325 : vector<16xf32> to vector<1x16xf32>
        tpu.vector_store %arg11[%swap3A_326, %swap3A_327], %swap3A_330 {strides = array<i32>} : memref<32x384xf32, #tpu.memory_space<vmem>>, vector<1x16xf32>,
        %select_n3A_331 = arith.select %ge3A_142, %get3A_324, %get3A_320 : vector<16xi1>, vector<16xf32>
        %swap3A_332 = arith.index_cast %scan3A_258 : i32 to index
        %swap3A_333 = arith.constant 48 : index
        %swap3A_334 = tpu.vector_load %arg12[%swap3A_332, %swap3A_333] {strides = array<i32>} : memref<32x384xf32, #tpu.memory_space<vmem>>, vector<1x16xf32>,
        %swap3A_335 = vector.shape_cast %swap3A_334 : vector<1x16xf32> to vector<16xf32>
        %swap3A_336 = vector.shape_cast %select_n3A_331 : vector<16xf32> to vector<1x16xf32>
        tpu.vector_store %arg12[%swap3A_332, %swap3A_333], %swap3A_336 {strides = array<i32>} : memref<32x384xf32, #tpu.memory_space<vmem>>, vector<1x16xf32>,
        %get3A_337 = arith.index_cast %scan3A_258 : i32 to index
        %get3A_338 = arith.constant 64 : index
        %get3A_339 = tpu.vector_load %arg9[%get3A_337, %get3A_338] {strides = array<i32>} : memref<32x384xf32, #tpu.memory_space<vmem>>, vector<1x16xf32>,
        %get3A_340 = vector.shape_cast %get3A_339 : vector<1x16xf32> to vector<16xf32>
        %get3A_341 = arith.index_cast %scan3A_258 : i32 to index
        %get3A_342 = arith.constant 64 : index
        %get3A_343 = tpu.vector_load %arg10[%get3A_341, %get3A_342] {strides = array<i32>} : memref<32x384xf32, #tpu.memory_space<vmem>>, vector<1x16xf32>,
        %get3A_344 = vector.shape_cast %get3A_343 : vector<1x16xf32> to vector<16xf32>
        %select_n3A_345 = arith.select %ge3A_27, %get3A_340, %get3A_344 : vector<16xi1>, vector<16xf32>
        %swap3A_346 = arith.index_cast %scan3A_258 : i32 to index
        %swap3A_347 = arith.constant 64 : index
        %swap3A_348 = tpu.vector_load %arg11[%swap3A_346, %swap3A_347] {strides = array<i32>} : memref<32x384xf32, #tpu.memory_space<vmem>>, vector<1x16xf32>,
        %swap3A_349 = vector.shape_cast %swap3A_348 : vector<1x16xf32> to vector<16xf32>
        %swap3A_350 = vector.shape_cast %select_n3A_345 : vector<16xf32> to vector<1x16xf32>
        tpu.vector_store %arg11[%swap3A_346, %swap3A_347], %swap3A_350 {strides = array<i32>} : memref<32x384xf32, #tpu.memory_space<vmem>>, vector<1x16xf32>,
        %select_n3A_351 = arith.select %ge3A_147, %get3A_344, %get3A_340 : vector<16xi1>, vector<16xf32>
        %swap3A_352 = arith.index_cast %scan3A_258 : i32 to index
        %swap3A_353 = arith.constant 64 : index
        %swap3A_354 = tpu.vector_load %arg12[%swap3A_352, %swap3A_353] {strides = array<i32>} : memref<32x384xf32, #tpu.memory_space<vmem>>, vector<1x16xf32>,
        %swap3A_355 = vector.shape_cast %swap3A_354 : vector<1x16xf32> to vector<16xf32>
        %swap3A_356 = vector.shape_cast %select_n3A_351 : vector<16xf32> to vector<1x16xf32>
        tpu.vector_store %arg12[%swap3A_352, %swap3A_353], %swap3A_356 {strides = array<i32>} : memref<32x384xf32, #tpu.memory_space<vmem>>, vector<1x16xf32>,
        %get3A_357 = arith.index_cast %scan3A_258 : i32 to index
        %get3A_358 = arith.constant 80 : index
        %get3A_359 = tpu.vector_load %arg9[%get3A_357, %get3A_358] {strides = array<i32>} : memref<32x384xf32, #tpu.memory_space<vmem>>, vector<1x16xf32>,
        %get3A_360 = vector.shape_cast %get3A_359 : vector<1x16xf32> to vector<16xf32>
        %get3A_361 = arith.index_cast %scan3A_258 : i32 to index
        %get3A_362 = arith.constant 80 : index
        %get3A_363 = tpu.vector_load %arg10[%get3A_361, %get3A_362] {strides = array<i32>} : memref<32x384xf32, #tpu.memory_space<vmem>>, vector<1x16xf32>,
        %get3A_364 = vector.shape_cast %get3A_363 : vector<1x16xf32> to vector<16xf32>
        %select_n3A_365 = arith.select %ge3A_32, %get3A_360, %get3A_364 : vector<16xi1>, vector<16xf32>
        %swap3A_366 = arith.index_cast %scan3A_258 : i32 to index
        %swap3A_367 = arith.constant 80 : index
        %swap3A_368 = tpu.vector_load %arg11[%swap3A_366, %swap3A_367] {strides = array<i32>} : memref<32x384xf32, #tpu.memory_space<vmem>>, vector<1x16xf32>,
        %swap3A_369 = vector.shape_cast %swap3A_368 : vector<1x16xf32> to vector<16xf32>
        %swap3A_370 = vector.shape_cast %select_n3A_365 : vector<16xf32> to vector<1x16xf32>
        tpu.vector_store %arg11[%swap3A_366, %swap3A_367], %swap3A_370 {strides = array<i32>} : memref<32x384xf32, #tpu.memory_space<vmem>>, vector<1x16xf32>,
        %select_n3A_371 = arith.select %ge3A_152, %get3A_364, %get3A_360 : vector<16xi1>, vector<16xf32>
        %swap3A_372 = arith.index_cast %scan3A_258 : i32 to index
        %swap3A_373 = arith.constant 80 : index
        %swap3A_374 = tpu.vector_load %arg12[%swap3A_372, %swap3A_373] {strides = array<i32>} : memref<32x384xf32, #tpu.memory_space<vmem>>, vector<1x16xf32>,
        %swap3A_375 = vector.shape_cast %swap3A_374 : vector<1x16xf32> to vector<16xf32>
        %swap3A_376 = vector.shape_cast %select_n3A_371 : vector<16xf32> to vector<1x16xf32>
        tpu.vector_store %arg12[%swap3A_372, %swap3A_373], %swap3A_376 {strides = array<i32>} : memref<32x384xf32, #tpu.memory_space<vmem>>, vector<1x16xf32>,
        %get3A_377 = arith.index_cast %scan3A_258 : i32 to index
        %get3A_378 = arith.constant 96 : index
        %get3A_379 = tpu.vector_load %arg9[%get3A_377, %get3A_378] {strides = array<i32>} : memref<32x384xf32, #tpu.memory_space<vmem>>, vector<1x16xf32>,
        %get3A_380 = vector.shape_cast %get3A_379 : vector<1x16xf32> to vector<16xf32>
        %get3A_381 = arith.index_cast %scan3A_258 : i32 to index
        %get3A_382 = arith.constant 96 : index
        %get3A_383 = tpu.vector_load %arg10[%get3A_381, %get3A_382] {strides = array<i32>} : memref<32x384xf32, #tpu.memory_space<vmem>>, vector<1x16xf32>,
        %get3A_384 = vector.shape_cast %get3A_383 : vector<1x16xf32> to vector<16xf32>
        %select_n3A_385 = arith.select %ge3A_37, %get3A_380, %get3A_384 : vector<16xi1>, vector<16xf32>
        %swap3A_386 = arith.index_cast %scan3A_258 : i32 to index
        %swap3A_387 = arith.constant 96 : index
        %swap3A_388 = tpu.vector_load %arg11[%swap3A_386, %swap3A_387] {strides = array<i32>} : memref<32x384xf32, #tpu.memory_space<vmem>>, vector<1x16xf32>,
        %swap3A_389 = vector.shape_cast %swap3A_388 : vector<1x16xf32> to vector<16xf32>
        %swap3A_390 = vector.shape_cast %select_n3A_385 : vector<16xf32> to vector<1x16xf32>
        tpu.vector_store %arg11[%swap3A_386, %swap3A_387], %swap3A_390 {strides = array<i32>} : memref<32x384xf32, #tpu.memory_space<vmem>>, vector<1x16xf32>,
        %select_n3A_391 = arith.select %ge3A_157, %get3A_384, %get3A_380 : vector<16xi1>, vector<16xf32>
        %swap3A_392 = arith.index_cast %scan3A_258 : i32 to index
        %swap3A_393 = arith.constant 96 : index
        %swap3A_394 = tpu.vector_load %arg12[%swap3A_392, %swap3A_393] {strides = array<i32>} : memref<32x384xf32, #tpu.memory_space<vmem>>, vector<1x16xf32>,
        %swap3A_395 = vector.shape_cast %swap3A_394 : vector<1x16xf32> to vector<16xf32>
        %swap3A_396 = vector.shape_cast %select_n3A_391 : vector<16xf32> to vector<1x16xf32>
        tpu.vector_store %arg12[%swap3A_392, %swap3A_393], %swap3A_396 {strides = array<i32>} : memref<32x384xf32, #tpu.memory_space<vmem>>, vector<1x16xf32>,
        %get3A_397 = arith.index_cast %scan3A_258 : i32 to index
        %get3A_398 = arith.constant 112 : index
        %get3A_399 = tpu.vector_load %arg9[%get3A_397, %get3A_398] {strides = array<i32>} : memref<32x384xf32, #tpu.memory_space<vmem>>, vector<1x16xf32>,
        %get3A_400 = vector.shape_cast %get3A_399 : vector<1x16xf32> to vector<16xf32>
        %get3A_401 = arith.index_cast %scan3A_258 : i32 to index
        %get3A_402 = arith.constant 112 : index
        %get3A_403 = tpu.vector_load %arg10[%get3A_401, %get3A_402] {strides = array<i32>} : memref<32x384xf32, #tpu.memory_space<vmem>>, vector<1x16xf32>,
        %get3A_404 = vector.shape_cast %get3A_403 : vector<1x16xf32> to vector<16xf32>
        %select_n3A_405 = arith.select %ge3A_42, %get3A_400, %get3A_404 : vector<16xi1>, vector<16xf32>
        %swap3A_406 = arith.index_cast %scan3A_258 : i32 to index
        %swap3A_407 = arith.constant 112 : index
        %swap3A_408 = tpu.vector_load %arg11[%swap3A_406, %swap3A_407] {strides = array<i32>} : memref<32x384xf32, #tpu.memory_space<vmem>>, vector<1x16xf32>,
        %swap3A_409 = vector.shape_cast %swap3A_408 : vector<1x16xf32> to vector<16xf32>
        %swap3A_410 = vector.shape_cast %select_n3A_405 : vector<16xf32> to vector<1x16xf32>
        tpu.vector_store %arg11[%swap3A_406, %swap3A_407], %swap3A_410 {strides = array<i32>} : memref<32x384xf32, #tpu.memory_space<vmem>>, vector<1x16xf32>,
        %select_n3A_411 = arith.select %ge3A_162, %get3A_404, %get3A_400 : vector<16xi1>, vector<16xf32>
        %swap3A_412 = arith.index_cast %scan3A_258 : i32 to index
        %swap3A_413 = arith.constant 112 : index
        %swap3A_414 = tpu.vector_load %arg12[%swap3A_412, %swap3A_413] {strides = array<i32>} : memref<32x384xf32, #tpu.memory_space<vmem>>, vector<1x16xf32>,
        %swap3A_415 = vector.shape_cast %swap3A_414 : vector<1x16xf32> to vector<16xf32>
        %swap3A_416 = vector.shape_cast %select_n3A_411 : vector<16xf32> to vector<1x16xf32>
        tpu.vector_store %arg12[%swap3A_412, %swap3A_413], %swap3A_416 {strides = array<i32>} : memref<32x384xf32, #tpu.memory_space<vmem>>, vector<1x16xf32>,
        %get3A_417 = arith.index_cast %scan3A_258 : i32 to index
        %get3A_418 = arith.constant 128 : index
        %get3A_419 = tpu.vector_load %arg9[%get3A_417, %get3A_418] {strides = array<i32>} : memref<32x384xf32, #tpu.memory_space<vmem>>, vector<1x16xf32>,
        %get3A_420 = vector.shape_cast %get3A_419 : vector<1x16xf32> to vector<16xf32>
        %get3A_421 = arith.index_cast %scan3A_258 : i32 to index
        %get3A_422 = arith.constant 128 : index
        %get3A_423 = tpu.vector_load %arg10[%get3A_421, %get3A_422] {strides = array<i32>} : memref<32x384xf32, #tpu.memory_space<vmem>>, vector<1x16xf32>,
        %get3A_424 = vector.shape_cast %get3A_423 : vector<1x16xf32> to vector<16xf32>
        %select_n3A_425 = arith.select %ge3A_47, %get3A_420, %get3A_424 : vector<16xi1>, vector<16xf32>
        %swap3A_426 = arith.index_cast %scan3A_258 : i32 to index
        %swap3A_427 = arith.constant 128 : index
        %swap3A_428 = tpu.vector_load %arg11[%swap3A_426, %swap3A_427] {strides = array<i32>} : memref<32x384xf32, #tpu.memory_space<vmem>>, vector<1x16xf32>,
        %swap3A_429 = vector.shape_cast %swap3A_428 : vector<1x16xf32> to vector<16xf32>
        %swap3A_430 = vector.shape_cast %select_n3A_425 : vector<16xf32> to vector<1x16xf32>
        tpu.vector_store %arg11[%swap3A_426, %swap3A_427], %swap3A_430 {strides = array<i32>} : memref<32x384xf32, #tpu.memory_space<vmem>>, vector<1x16xf32>,
        %select_n3A_431 = arith.select %ge3A_167, %get3A_424, %get3A_420 : vector<16xi1>, vector<16xf32>
        %swap3A_432 = arith.index_cast %scan3A_258 : i32 to index
        %swap3A_433 = arith.constant 128 : index
        %swap3A_434 = tpu.vector_load %arg12[%swap3A_432, %swap3A_433] {strides = array<i32>} : memref<32x384xf32, #tpu.memory_space<vmem>>, vector<1x16xf32>,
        %swap3A_435 = vector.shape_cast %swap3A_434 : vector<1x16xf32> to vector<16xf32>
        %swap3A_436 = vector.shape_cast %select_n3A_431 : vector<16xf32> to vector<1x16xf32>
        tpu.vector_store %arg12[%swap3A_432, %swap3A_433], %swap3A_436 {strides = array<i32>} : memref<32x384xf32, #tpu.memory_space<vmem>>, vector<1x16xf32>,
        %get3A_437 = arith.index_cast %scan3A_258 : i32 to index
        %get3A_438 = arith.constant 144 : index
        %get3A_439 = tpu.vector_load %arg9[%get3A_437, %get3A_438] {strides = array<i32>} : memref<32x384xf32, #tpu.memory_space<vmem>>, vector<1x16xf32>,
        %get3A_440 = vector.shape_cast %get3A_439 : vector<1x16xf32> to vector<16xf32>
        %get3A_441 = arith.index_cast %scan3A_258 : i32 to index
        %get3A_442 = arith.constant 144 : index
        %get3A_443 = tpu.vector_load %arg10[%get3A_441, %get3A_442] {strides = array<i32>} : memref<32x384xf32, #tpu.memory_space<vmem>>, vector<1x16xf32>,
        %get3A_444 = vector.shape_cast %get3A_443 : vector<1x16xf32> to vector<16xf32>
        %select_n3A_445 = arith.select %ge3A_52, %get3A_440, %get3A_444 : vector<16xi1>, vector<16xf32>
        %swap3A_446 = arith.index_cast %scan3A_258 : i32 to index
        %swap3A_447 = arith.constant 144 : index
        %swap3A_448 = tpu.vector_load %arg11[%swap3A_446, %swap3A_447] {strides = array<i32>} : memref<32x384xf32, #tpu.memory_space<vmem>>, vector<1x16xf32>,
        %swap3A_449 = vector.shape_cast %swap3A_448 : vector<1x16xf32> to vector<16xf32>
        %swap3A_450 = vector.shape_cast %select_n3A_445 : vector<16xf32> to vector<1x16xf32>
        tpu.vector_store %arg11[%swap3A_446, %swap3A_447], %swap3A_450 {strides = array<i32>} : memref<32x384xf32, #tpu.memory_space<vmem>>, vector<1x16xf32>,
        %select_n3A_451 = arith.select %ge3A_172, %get3A_444, %get3A_440 : vector<16xi1>, vector<16xf32>
        %swap3A_452 = arith.index_cast %scan3A_258 : i32 to index
        %swap3A_453 = arith.constant 144 : index
        %swap3A_454 = tpu.vector_load %arg12[%swap3A_452, %swap3A_453] {strides = array<i32>} : memref<32x384xf32, #tpu.memory_space<vmem>>, vector<1x16xf32>,
        %swap3A_455 = vector.shape_cast %swap3A_454 : vector<1x16xf32> to vector<16xf32>
        %swap3A_456 = vector.shape_cast %select_n3A_451 : vector<16xf32> to vector<1x16xf32>
        tpu.vector_store %arg12[%swap3A_452, %swap3A_453], %swap3A_456 {strides = array<i32>} : memref<32x384xf32, #tpu.memory_space<vmem>>, vector<1x16xf32>,
        %get3A_457 = arith.index_cast %scan3A_258 : i32 to index
        %get3A_458 = arith.constant 160 : index
        %get3A_459 = tpu.vector_load %arg9[%get3A_457, %get3A_458] {strides = array<i32>} : memref<32x384xf32, #tpu.memory_space<vmem>>, vector<1x16xf32>,
        %get3A_460 = vector.shape_cast %get3A_459 : vector<1x16xf32> to vector<16xf32>
        %get3A_461 = arith.index_cast %scan3A_258 : i32 to index
        %get3A_462 = arith.constant 160 : index
        %get3A_463 = tpu.vector_load %arg10[%get3A_461, %get3A_462] {strides = array<i32>} : memref<32x384xf32, #tpu.memory_space<vmem>>, vector<1x16xf32>,
        %get3A_464 = vector.shape_cast %get3A_463 : vector<1x16xf32> to vector<16xf32>
        %select_n3A_465 = arith.select %ge3A_57, %get3A_460, %get3A_464 : vector<16xi1>, vector<16xf32>
        %swap3A_466 = arith.index_cast %scan3A_258 : i32 to index
        %swap3A_467 = arith.constant 160 : index
        %swap3A_468 = tpu.vector_load %arg11[%swap3A_466, %swap3A_467] {strides = array<i32>} : memref<32x384xf32, #tpu.memory_space<vmem>>, vector<1x16xf32>,
        %swap3A_469 = vector.shape_cast %swap3A_468 : vector<1x16xf32> to vector<16xf32>
        %swap3A_470 = vector.shape_cast %select_n3A_465 : vector<16xf32> to vector<1x16xf32>
        tpu.vector_store %arg11[%swap3A_466, %swap3A_467], %swap3A_470 {strides = array<i32>} : memref<32x384xf32, #tpu.memory_space<vmem>>, vector<1x16xf32>,
        %select_n3A_471 = arith.select %ge3A_177, %get3A_464, %get3A_460 : vector<16xi1>, vector<16xf32>
        %swap3A_472 = arith.index_cast %scan3A_258 : i32 to index
        %swap3A_473 = arith.constant 160 : index
        %swap3A_474 = tpu.vector_load %arg12[%swap3A_472, %swap3A_473] {strides = array<i32>} : memref<32x384xf32, #tpu.memory_space<vmem>>, vector<1x16xf32>,
        %swap3A_475 = vector.shape_cast %swap3A_474 : vector<1x16xf32> to vector<16xf32>
        %swap3A_476 = vector.shape_cast %select_n3A_471 : vector<16xf32> to vector<1x16xf32>
        tpu.vector_store %arg12[%swap3A_472, %swap3A_473], %swap3A_476 {strides = array<i32>} : memref<32x384xf32, #tpu.memory_space<vmem>>, vector<1x16xf32>,
        %get3A_477 = arith.index_cast %scan3A_258 : i32 to index
        %get3A_478 = arith.constant 176 : index
        %get3A_479 = tpu.vector_load %arg9[%get3A_477, %get3A_478] {strides = array<i32>} : memref<32x384xf32, #tpu.memory_space<vmem>>, vector<1x16xf32>,
        %get3A_480 = vector.shape_cast %get3A_479 : vector<1x16xf32> to vector<16xf32>
        %get3A_481 = arith.index_cast %scan3A_258 : i32 to index
        %get3A_482 = arith.constant 176 : index
        %get3A_483 = tpu.vector_load %arg10[%get3A_481, %get3A_482] {strides = array<i32>} : memref<32x384xf32, #tpu.memory_space<vmem>>, vector<1x16xf32>,
        %get3A_484 = vector.shape_cast %get3A_483 : vector<1x16xf32> to vector<16xf32>
        %select_n3A_485 = arith.select %ge3A_62, %get3A_480, %get3A_484 : vector<16xi1>, vector<16xf32>
        %swap3A_486 = arith.index_cast %scan3A_258 : i32 to index
        %swap3A_487 = arith.constant 176 : index
        %swap3A_488 = tpu.vector_load %arg11[%swap3A_486, %swap3A_487] {strides = array<i32>} : memref<32x384xf32, #tpu.memory_space<vmem>>, vector<1x16xf32>,
        %swap3A_489 = vector.shape_cast %swap3A_488 : vector<1x16xf32> to vector<16xf32>
        %swap3A_490 = vector.shape_cast %select_n3A_485 : vector<16xf32> to vector<1x16xf32>
        tpu.vector_store %arg11[%swap3A_486, %swap3A_487], %swap3A_490 {strides = array<i32>} : memref<32x384xf32, #tpu.memory_space<vmem>>, vector<1x16xf32>,
        %select_n3A_491 = arith.select %ge3A_182, %get3A_484, %get3A_480 : vector<16xi1>, vector<16xf32>
        %swap3A_492 = arith.index_cast %scan3A_258 : i32 to index
        %swap3A_493 = arith.constant 176 : index
        %swap3A_494 = tpu.vector_load %arg12[%swap3A_492, %swap3A_493] {strides = array<i32>} : memref<32x384xf32, #tpu.memory_space<vmem>>, vector<1x16xf32>,
        %swap3A_495 = vector.shape_cast %swap3A_494 : vector<1x16xf32> to vector<16xf32>
        %swap3A_496 = vector.shape_cast %select_n3A_491 : vector<16xf32> to vector<1x16xf32>
        tpu.vector_store %arg12[%swap3A_492, %swap3A_493], %swap3A_496 {strides = array<i32>} : memref<32x384xf32, #tpu.memory_space<vmem>>, vector<1x16xf32>,
        %get3A_497 = arith.index_cast %scan3A_258 : i32 to index
        %get3A_498 = arith.constant 192 : index
        %get3A_499 = tpu.vector_load %arg9[%get3A_497, %get3A_498] {strides = array<i32>} : memref<32x384xf32, #tpu.memory_space<vmem>>, vector<1x16xf32>,
        %get3A_500 = vector.shape_cast %get3A_499 : vector<1x16xf32> to vector<16xf32>
        %get3A_501 = arith.index_cast %scan3A_258 : i32 to index
        %get3A_502 = arith.constant 192 : index
        %get3A_503 = tpu.vector_load %arg10[%get3A_501, %get3A_502] {strides = array<i32>} : memref<32x384xf32, #tpu.memory_space<vmem>>, vector<1x16xf32>,
        %get3A_504 = vector.shape_cast %get3A_503 : vector<1x16xf32> to vector<16xf32>
        %select_n3A_505 = arith.select %ge3A_67, %get3A_500, %get3A_504 : vector<16xi1>, vector<16xf32>
        %swap3A_506 = arith.index_cast %scan3A_258 : i32 to index
        %swap3A_507 = arith.constant 192 : index
        %swap3A_508 = tpu.vector_load %arg11[%swap3A_506, %swap3A_507] {strides = array<i32>} : memref<32x384xf32, #tpu.memory_space<vmem>>, vector<1x16xf32>,
        %swap3A_509 = vector.shape_cast %swap3A_508 : vector<1x16xf32> to vector<16xf32>
        %swap3A_510 = vector.shape_cast %select_n3A_505 : vector<16xf32> to vector<1x16xf32>
        tpu.vector_store %arg11[%swap3A_506, %swap3A_507], %swap3A_510 {strides = array<i32>} : memref<32x384xf32, #tpu.memory_space<vmem>>, vector<1x16xf32>,
        %select_n3A_511 = arith.select %ge3A_187, %get3A_504, %get3A_500 : vector<16xi1>, vector<16xf32>
        %swap3A_512 = arith.index_cast %scan3A_258 : i32 to index
        %swap3A_513 = arith.constant 192 : index
        %swap3A_514 = tpu.vector_load %arg12[%swap3A_512, %swap3A_513] {strides = array<i32>} : memref<32x384xf32, #tpu.memory_space<vmem>>, vector<1x16xf32>,
        %swap3A_515 = vector.shape_cast %swap3A_514 : vector<1x16xf32> to vector<16xf32>
        %swap3A_516 = vector.shape_cast %select_n3A_511 : vector<16xf32> to vector<1x16xf32>
        tpu.vector_store %arg12[%swap3A_512, %swap3A_513], %swap3A_516 {strides = array<i32>} : memref<32x384xf32, #tpu.memory_space<vmem>>, vector<1x16xf32>,
        %get3A_517 = arith.index_cast %scan3A_258 : i32 to index
        %get3A_518 = arith.constant 208 : index
        %get3A_519 = tpu.vector_load %arg9[%get3A_517, %get3A_518] {strides = array<i32>} : memref<32x384xf32, #tpu.memory_space<vmem>>, vector<1x16xf32>,
        %get3A_520 = vector.shape_cast %get3A_519 : vector<1x16xf32> to vector<16xf32>
        %get3A_521 = arith.index_cast %scan3A_258 : i32 to index
        %get3A_522 = arith.constant 208 : index
        %get3A_523 = tpu.vector_load %arg10[%get3A_521, %get3A_522] {strides = array<i32>} : memref<32x384xf32, #tpu.memory_space<vmem>>, vector<1x16xf32>,
        %get3A_524 = vector.shape_cast %get3A_523 : vector<1x16xf32> to vector<16xf32>
        %select_n3A_525 = arith.select %ge3A_72, %get3A_520, %get3A_524 : vector<16xi1>, vector<16xf32>
        %swap3A_526 = arith.index_cast %scan3A_258 : i32 to index
        %swap3A_527 = arith.constant 208 : index
        %swap3A_528 = tpu.vector_load %arg11[%swap3A_526, %swap3A_527] {strides = array<i32>} : memref<32x384xf32, #tpu.memory_space<vmem>>, vector<1x16xf32>,
        %swap3A_529 = vector.shape_cast %swap3A_528 : vector<1x16xf32> to vector<16xf32>
        %swap3A_530 = vector.shape_cast %select_n3A_525 : vector<16xf32> to vector<1x16xf32>
        tpu.vector_store %arg11[%swap3A_526, %swap3A_527], %swap3A_530 {strides = array<i32>} : memref<32x384xf32, #tpu.memory_space<vmem>>, vector<1x16xf32>,
        %select_n3A_531 = arith.select %ge3A_192, %get3A_524, %get3A_520 : vector<16xi1>, vector<16xf32>
        %swap3A_532 = arith.index_cast %scan3A_258 : i32 to index
        %swap3A_533 = arith.constant 208 : index
        %swap3A_534 = tpu.vector_load %arg12[%swap3A_532, %swap3A_533] {strides = array<i32>} : memref<32x384xf32, #tpu.memory_space<vmem>>, vector<1x16xf32>,
        %swap3A_535 = vector.shape_cast %swap3A_534 : vector<1x16xf32> to vector<16xf32>
        %swap3A_536 = vector.shape_cast %select_n3A_531 : vector<16xf32> to vector<1x16xf32>
        tpu.vector_store %arg12[%swap3A_532, %swap3A_533], %swap3A_536 {strides = array<i32>} : memref<32x384xf32, #tpu.memory_space<vmem>>, vector<1x16xf32>,
        %get3A_537 = arith.index_cast %scan3A_258 : i32 to index
        %get3A_538 = arith.constant 224 : index
        %get3A_539 = tpu.vector_load %arg9[%get3A_537, %get3A_538] {strides = array<i32>} : memref<32x384xf32, #tpu.memory_space<vmem>>, vector<1x16xf32>,
        %get3A_540 = vector.shape_cast %get3A_539 : vector<1x16xf32> to vector<16xf32>
        %get3A_541 = arith.index_cast %scan3A_258 : i32 to index
        %get3A_542 = arith.constant 224 : index
        %get3A_543 = tpu.vector_load %arg10[%get3A_541, %get3A_542] {strides = array<i32>} : memref<32x384xf32, #tpu.memory_space<vmem>>, vector<1x16xf32>,
        %get3A_544 = vector.shape_cast %get3A_543 : vector<1x16xf32> to vector<16xf32>
        %select_n3A_545 = arith.select %ge3A_77, %get3A_540, %get3A_544 : vector<16xi1>, vector<16xf32>
        %swap3A_546 = arith.index_cast %scan3A_258 : i32 to index
        %swap3A_547 = arith.constant 224 : index
        %swap3A_548 = tpu.vector_load %arg11[%swap3A_546, %swap3A_547] {strides = array<i32>} : memref<32x384xf32, #tpu.memory_space<vmem>>, vector<1x16xf32>,
        %swap3A_549 = vector.shape_cast %swap3A_548 : vector<1x16xf32> to vector<16xf32>
        %swap3A_550 = vector.shape_cast %select_n3A_545 : vector<16xf32> to vector<1x16xf32>
        tpu.vector_store %arg11[%swap3A_546, %swap3A_547], %swap3A_550 {strides = array<i32>} : memref<32x384xf32, #tpu.memory_space<vmem>>, vector<1x16xf32>,
        %select_n3A_551 = arith.select %ge3A_197, %get3A_544, %get3A_540 : vector<16xi1>, vector<16xf32>
        %swap3A_552 = arith.index_cast %scan3A_258 : i32 to index
        %swap3A_553 = arith.constant 224 : index
        %swap3A_554 = tpu.vector_load %arg12[%swap3A_552, %swap3A_553] {strides = array<i32>} : memref<32x384xf32, #tpu.memory_space<vmem>>, vector<1x16xf32>,
        %swap3A_555 = vector.shape_cast %swap3A_554 : vector<1x16xf32> to vector<16xf32>
        %swap3A_556 = vector.shape_cast %select_n3A_551 : vector<16xf32> to vector<1x16xf32>
        tpu.vector_store %arg12[%swap3A_552, %swap3A_553], %swap3A_556 {strides = array<i32>} : memref<32x384xf32, #tpu.memory_space<vmem>>, vector<1x16xf32>,
        %get3A_557 = arith.index_cast %scan3A_258 : i32 to index
        %get3A_558 = arith.constant 240 : index
        %get3A_559 = tpu.vector_load %arg9[%get3A_557, %get3A_558] {strides = array<i32>} : memref<32x384xf32, #tpu.memory_space<vmem>>, vector<1x16xf32>,
        %get3A_560 = vector.shape_cast %get3A_559 : vector<1x16xf32> to vector<16xf32>
        %get3A_561 = arith.index_cast %scan3A_258 : i32 to index
        %get3A_562 = arith.constant 240 : index
        %get3A_563 = tpu.vector_load %arg10[%get3A_561, %get3A_562] {strides = array<i32>} : memref<32x384xf32, #tpu.memory_space<vmem>>, vector<1x16xf32>,
        %get3A_564 = vector.shape_cast %get3A_563 : vector<1x16xf32> to vector<16xf32>
        %select_n3A_565 = arith.select %ge3A_82, %get3A_560, %get3A_564 : vector<16xi1>, vector<16xf32>
        %swap3A_566 = arith.index_cast %scan3A_258 : i32 to index
        %swap3A_567 = arith.constant 240 : index
        %swap3A_568 = tpu.vector_load %arg11[%swap3A_566, %swap3A_567] {strides = array<i32>} : memref<32x384xf32, #tpu.memory_space<vmem>>, vector<1x16xf32>,
        %swap3A_569 = vector.shape_cast %swap3A_568 : vector<1x16xf32> to vector<16xf32>
        %swap3A_570 = vector.shape_cast %select_n3A_565 : vector<16xf32> to vector<1x16xf32>
        tpu.vector_store %arg11[%swap3A_566, %swap3A_567], %swap3A_570 {strides = array<i32>} : memref<32x384xf32, #tpu.memory_space<vmem>>, vector<1x16xf32>,
        %select_n3A_571 = arith.select %ge3A_202, %get3A_564, %get3A_560 : vector<16xi1>, vector<16xf32>
        %swap3A_572 = arith.index_cast %scan3A_258 : i32 to index
        %swap3A_573 = arith.constant 240 : index
        %swap3A_574 = tpu.vector_load %arg12[%swap3A_572, %swap3A_573] {strides = array<i32>} : memref<32x384xf32, #tpu.memory_space<vmem>>, vector<1x16xf32>,
        %swap3A_575 = vector.shape_cast %swap3A_574 : vector<1x16xf32> to vector<16xf32>
        %swap3A_576 = vector.shape_cast %select_n3A_571 : vector<16xf32> to vector<1x16xf32>
        tpu.vector_store %arg12[%swap3A_572, %swap3A_573], %swap3A_576 {strides = array<i32>} : memref<32x384xf32, #tpu.memory_space<vmem>>, vector<1x16xf32>,
        %get3A_577 = arith.index_cast %scan3A_258 : i32 to index
        %get3A_578 = arith.constant 256 : index
        %get3A_579 = tpu.vector_load %arg9[%get3A_577, %get3A_578] {strides = array<i32>} : memref<32x384xf32, #tpu.memory_space<vmem>>, vector<1x16xf32>,
        %get3A_580 = vector.shape_cast %get3A_579 : vector<1x16xf32> to vector<16xf32>
        %get3A_581 = arith.index_cast %scan3A_258 : i32 to index
        %get3A_582 = arith.constant 256 : index
        %get3A_583 = tpu.vector_load %arg10[%get3A_581, %get3A_582] {strides = array<i32>} : memref<32x384xf32, #tpu.memory_space<vmem>>, vector<1x16xf32>,
        %get3A_584 = vector.shape_cast %get3A_583 : vector<1x16xf32> to vector<16xf32>
        %select_n3A_585 = arith.select %ge3A_87, %get3A_580, %get3A_584 : vector<16xi1>, vector<16xf32>
        %swap3A_586 = arith.index_cast %scan3A_258 : i32 to index
        %swap3A_587 = arith.constant 256 : index
        %swap3A_588 = tpu.vector_load %arg11[%swap3A_586, %swap3A_587] {strides = array<i32>} : memref<32x384xf32, #tpu.memory_space<vmem>>, vector<1x16xf32>,
        %swap3A_589 = vector.shape_cast %swap3A_588 : vector<1x16xf32> to vector<16xf32>
        %swap3A_590 = vector.shape_cast %select_n3A_585 : vector<16xf32> to vector<1x16xf32>
        tpu.vector_store %arg11[%swap3A_586, %swap3A_587], %swap3A_590 {strides = array<i32>} : memref<32x384xf32, #tpu.memory_space<vmem>>, vector<1x16xf32>,
        %select_n3A_591 = arith.select %ge3A_207, %get3A_584, %get3A_580 : vector<16xi1>, vector<16xf32>
        %swap3A_592 = arith.index_cast %scan3A_258 : i32 to index
        %swap3A_593 = arith.constant 256 : index
        %swap3A_594 = tpu.vector_load %arg12[%swap3A_592, %swap3A_593] {strides = array<i32>} : memref<32x384xf32, #tpu.memory_space<vmem>>, vector<1x16xf32>,
        %swap3A_595 = vector.shape_cast %swap3A_594 : vector<1x16xf32> to vector<16xf32>
        %swap3A_596 = vector.shape_cast %select_n3A_591 : vector<16xf32> to vector<1x16xf32>
        tpu.vector_store %arg12[%swap3A_592, %swap3A_593], %swap3A_596 {strides = array<i32>} : memref<32x384xf32, #tpu.memory_space<vmem>>, vector<1x16xf32>,
        %get3A_597 = arith.index_cast %scan3A_258 : i32 to index
        %get3A_598 = arith.constant 272 : index
        %get3A_599 = tpu.vector_load %arg9[%get3A_597, %get3A_598] {strides = array<i32>} : memref<32x384xf32, #tpu.memory_space<vmem>>, vector<1x16xf32>,
        %get3A_600 = vector.shape_cast %get3A_599 : vector<1x16xf32> to vector<16xf32>
        %get3A_601 = arith.index_cast %scan3A_258 : i32 to index
        %get3A_602 = arith.constant 272 : index
        %get3A_603 = tpu.vector_load %arg10[%get3A_601, %get3A_602] {strides = array<i32>} : memref<32x384xf32, #tpu.memory_space<vmem>>, vector<1x16xf32>,
        %get3A_604 = vector.shape_cast %get3A_603 : vector<1x16xf32> to vector<16xf32>
        %select_n3A_605 = arith.select %ge3A_92, %get3A_600, %get3A_604 : vector<16xi1>, vector<16xf32>
        %swap3A_606 = arith.index_cast %scan3A_258 : i32 to index
        %swap3A_607 = arith.constant 272 : index
        %swap3A_608 = tpu.vector_load %arg11[%swap3A_606, %swap3A_607] {strides = array<i32>} : memref<32x384xf32, #tpu.memory_space<vmem>>, vector<1x16xf32>,
        %swap3A_609 = vector.shape_cast %swap3A_608 : vector<1x16xf32> to vector<16xf32>
        %swap3A_610 = vector.shape_cast %select_n3A_605 : vector<16xf32> to vector<1x16xf32>
        tpu.vector_store %arg11[%swap3A_606, %swap3A_607], %swap3A_610 {strides = array<i32>} : memref<32x384xf32, #tpu.memory_space<vmem>>, vector<1x16xf32>,
        %select_n3A_611 = arith.select %ge3A_212, %get3A_604, %get3A_600 : vector<16xi1>, vector<16xf32>
        %swap3A_612 = arith.index_cast %scan3A_258 : i32 to index
        %swap3A_613 = arith.constant 272 : index
        %swap3A_614 = tpu.vector_load %arg12[%swap3A_612, %swap3A_613] {strides = array<i32>} : memref<32x384xf32, #tpu.memory_space<vmem>>, vector<1x16xf32>,
        %swap3A_615 = vector.shape_cast %swap3A_614 : vector<1x16xf32> to vector<16xf32>
        %swap3A_616 = vector.shape_cast %select_n3A_611 : vector<16xf32> to vector<1x16xf32>
        tpu.vector_store %arg12[%swap3A_612, %swap3A_613], %swap3A_616 {strides = array<i32>} : memref<32x384xf32, #tpu.memory_space<vmem>>, vector<1x16xf32>,
        %get3A_617 = arith.index_cast %scan3A_258 : i32 to index
        %get3A_618 = arith.constant 288 : index
        %get3A_619 = tpu.vector_load %arg9[%get3A_617, %get3A_618] {strides = array<i32>} : memref<32x384xf32, #tpu.memory_space<vmem>>, vector<1x16xf32>,
        %get3A_620 = vector.shape_cast %get3A_619 : vector<1x16xf32> to vector<16xf32>
        %get3A_621 = arith.index_cast %scan3A_258 : i32 to index
        %get3A_622 = arith.constant 288 : index
        %get3A_623 = tpu.vector_load %arg10[%get3A_621, %get3A_622] {strides = array<i32>} : memref<32x384xf32, #tpu.memory_space<vmem>>, vector<1x16xf32>,
        %get3A_624 = vector.shape_cast %get3A_623 : vector<1x16xf32> to vector<16xf32>
        %select_n3A_625 = arith.select %ge3A_97, %get3A_620, %get3A_624 : vector<16xi1>, vector<16xf32>
        %swap3A_626 = arith.index_cast %scan3A_258 : i32 to index
        %swap3A_627 = arith.constant 288 : index
        %swap3A_628 = tpu.vector_load %arg11[%swap3A_626, %swap3A_627] {strides = array<i32>} : memref<32x384xf32, #tpu.memory_space<vmem>>, vector<1x16xf32>,
        %swap3A_629 = vector.shape_cast %swap3A_628 : vector<1x16xf32> to vector<16xf32>
        %swap3A_630 = vector.shape_cast %select_n3A_625 : vector<16xf32> to vector<1x16xf32>
        tpu.vector_store %arg11[%swap3A_626, %swap3A_627], %swap3A_630 {strides = array<i32>} : memref<32x384xf32, #tpu.memory_space<vmem>>, vector<1x16xf32>,
        %select_n3A_631 = arith.select %ge3A_217, %get3A_624, %get3A_620 : vector<16xi1>, vector<16xf32>
        %swap3A_632 = arith.index_cast %scan3A_258 : i32 to index
        %swap3A_633 = arith.constant 288 : index
        %swap3A_634 = tpu.vector_load %arg12[%swap3A_632, %swap3A_633] {strides = array<i32>} : memref<32x384xf32, #tpu.memory_space<vmem>>, vector<1x16xf32>,
        %swap3A_635 = vector.shape_cast %swap3A_634 : vector<1x16xf32> to vector<16xf32>
        %swap3A_636 = vector.shape_cast %select_n3A_631 : vector<16xf32> to vector<1x16xf32>
        tpu.vector_store %arg12[%swap3A_632, %swap3A_633], %swap3A_636 {strides = array<i32>} : memref<32x384xf32, #tpu.memory_space<vmem>>, vector<1x16xf32>,
        %get3A_637 = arith.index_cast %scan3A_258 : i32 to index
        %get3A_638 = arith.constant 304 : index
        %get3A_639 = tpu.vector_load %arg9[%get3A_637, %get3A_638] {strides = array<i32>} : memref<32x384xf32, #tpu.memory_space<vmem>>, vector<1x16xf32>,
        %get3A_640 = vector.shape_cast %get3A_639 : vector<1x16xf32> to vector<16xf32>
        %get3A_641 = arith.index_cast %scan3A_258 : i32 to index
        %get3A_642 = arith.constant 304 : index
        %get3A_643 = tpu.vector_load %arg10[%get3A_641, %get3A_642] {strides = array<i32>} : memref<32x384xf32, #tpu.memory_space<vmem>>, vector<1x16xf32>,
        %get3A_644 = vector.shape_cast %get3A_643 : vector<1x16xf32> to vector<16xf32>
        %select_n3A_645 = arith.select %ge3A_102, %get3A_640, %get3A_644 : vector<16xi1>, vector<16xf32>
        %swap3A_646 = arith.index_cast %scan3A_258 : i32 to index
        %swap3A_647 = arith.constant 304 : index
        %swap3A_648 = tpu.vector_load %arg11[%swap3A_646, %swap3A_647] {strides = array<i32>} : memref<32x384xf32, #tpu.memory_space<vmem>>, vector<1x16xf32>,
        %swap3A_649 = vector.shape_cast %swap3A_648 : vector<1x16xf32> to vector<16xf32>
        %swap3A_650 = vector.shape_cast %select_n3A_645 : vector<16xf32> to vector<1x16xf32>
        tpu.vector_store %arg11[%swap3A_646, %swap3A_647], %swap3A_650 {strides = array<i32>} : memref<32x384xf32, #tpu.memory_space<vmem>>, vector<1x16xf32>,
        %select_n3A_651 = arith.select %ge3A_222, %get3A_644, %get3A_640 : vector<16xi1>, vector<16xf32>
        %swap3A_652 = arith.index_cast %scan3A_258 : i32 to index
        %swap3A_653 = arith.constant 304 : index
        %swap3A_654 = tpu.vector_load %arg12[%swap3A_652, %swap3A_653] {strides = array<i32>} : memref<32x384xf32, #tpu.memory_space<vmem>>, vector<1x16xf32>,
        %swap3A_655 = vector.shape_cast %swap3A_654 : vector<1x16xf32> to vector<16xf32>
        %swap3A_656 = vector.shape_cast %select_n3A_651 : vector<16xf32> to vector<1x16xf32>
        tpu.vector_store %arg12[%swap3A_652, %swap3A_653], %swap3A_656 {strides = array<i32>} : memref<32x384xf32, #tpu.memory_space<vmem>>, vector<1x16xf32>,
        %get3A_657 = arith.index_cast %scan3A_258 : i32 to index
        %get3A_658 = arith.constant 320 : index
        %get3A_659 = tpu.vector_load %arg9[%get3A_657, %get3A_658] {strides = array<i32>} : memref<32x384xf32, #tpu.memory_space<vmem>>, vector<1x16xf32>,
        %get3A_660 = vector.shape_cast %get3A_659 : vector<1x16xf32> to vector<16xf32>
        %get3A_661 = arith.index_cast %scan3A_258 : i32 to index
        %get3A_662 = arith.constant 320 : index
        %get3A_663 = tpu.vector_load %arg10[%get3A_661, %get3A_662] {strides = array<i32>} : memref<32x384xf32, #tpu.memory_space<vmem>>, vector<1x16xf32>,
        %get3A_664 = vector.shape_cast %get3A_663 : vector<1x16xf32> to vector<16xf32>
        %select_n3A_665 = arith.select %ge3A_107, %get3A_660, %get3A_664 : vector<16xi1>, vector<16xf32>
        %swap3A_666 = arith.index_cast %scan3A_258 : i32 to index
        %swap3A_667 = arith.constant 320 : index
        %swap3A_668 = tpu.vector_load %arg11[%swap3A_666, %swap3A_667] {strides = array<i32>} : memref<32x384xf32, #tpu.memory_space<vmem>>, vector<1x16xf32>,
        %swap3A_669 = vector.shape_cast %swap3A_668 : vector<1x16xf32> to vector<16xf32>
        %swap3A_670 = vector.shape_cast %select_n3A_665 : vector<16xf32> to vector<1x16xf32>
        tpu.vector_store %arg11[%swap3A_666, %swap3A_667], %swap3A_670 {strides = array<i32>} : memref<32x384xf32, #tpu.memory_space<vmem>>, vector<1x16xf32>,
        %select_n3A_671 = arith.select %ge3A_227, %get3A_664, %get3A_660 : vector<16xi1>, vector<16xf32>
        %swap3A_672 = arith.index_cast %scan3A_258 : i32 to index
        %swap3A_673 = arith.constant 320 : index
        %swap3A_674 = tpu.vector_load %arg12[%swap3A_672, %swap3A_673] {strides = array<i32>} : memref<32x384xf32, #tpu.memory_space<vmem>>, vector<1x16xf32>,
        %swap3A_675 = vector.shape_cast %swap3A_674 : vector<1x16xf32> to vector<16xf32>
        %swap3A_676 = vector.shape_cast %select_n3A_671 : vector<16xf32> to vector<1x16xf32>
        tpu.vector_store %arg12[%swap3A_672, %swap3A_673], %swap3A_676 {strides = array<i32>} : memref<32x384xf32, #tpu.memory_space<vmem>>, vector<1x16xf32>,
        %get3A_677 = arith.index_cast %scan3A_258 : i32 to index
        %get3A_678 = arith.constant 336 : index
        %get3A_679 = tpu.vector_load %arg9[%get3A_677, %get3A_678] {strides = array<i32>} : memref<32x384xf32, #tpu.memory_space<vmem>>, vector<1x16xf32>,
        %get3A_680 = vector.shape_cast %get3A_679 : vector<1x16xf32> to vector<16xf32>
        %get3A_681 = arith.index_cast %scan3A_258 : i32 to index
        %get3A_682 = arith.constant 336 : index
        %get3A_683 = tpu.vector_load %arg10[%get3A_681, %get3A_682] {strides = array<i32>} : memref<32x384xf32, #tpu.memory_space<vmem>>, vector<1x16xf32>,
        %get3A_684 = vector.shape_cast %get3A_683 : vector<1x16xf32> to vector<16xf32>
        %select_n3A_685 = arith.select %ge3A_112, %get3A_680, %get3A_684 : vector<16xi1>, vector<16xf32>
        %swap3A_686 = arith.index_cast %scan3A_258 : i32 to index
        %swap3A_687 = arith.constant 336 : index
        %swap3A_688 = tpu.vector_load %arg11[%swap3A_686, %swap3A_687] {strides = array<i32>} : memref<32x384xf32, #tpu.memory_space<vmem>>, vector<1x16xf32>,
        %swap3A_689 = vector.shape_cast %swap3A_688 : vector<1x16xf32> to vector<16xf32>
        %swap3A_690 = vector.shape_cast %select_n3A_685 : vector<16xf32> to vector<1x16xf32>
        tpu.vector_store %arg11[%swap3A_686, %swap3A_687], %swap3A_690 {strides = array<i32>} : memref<32x384xf32, #tpu.memory_space<vmem>>, vector<1x16xf32>,
        %select_n3A_691 = arith.select %ge3A_232, %get3A_684, %get3A_680 : vector<16xi1>, vector<16xf32>
        %swap3A_692 = arith.index_cast %scan3A_258 : i32 to index
        %swap3A_693 = arith.constant 336 : index
        %swap3A_694 = tpu.vector_load %arg12[%swap3A_692, %swap3A_693] {strides = array<i32>} : memref<32x384xf32, #tpu.memory_space<vmem>>, vector<1x16xf32>,
        %swap3A_695 = vector.shape_cast %swap3A_694 : vector<1x16xf32> to vector<16xf32>
        %swap3A_696 = vector.shape_cast %select_n3A_691 : vector<16xf32> to vector<1x16xf32>
        tpu.vector_store %arg12[%swap3A_692, %swap3A_693], %swap3A_696 {strides = array<i32>} : memref<32x384xf32, #tpu.memory_space<vmem>>, vector<1x16xf32>,
        %get3A_697 = arith.index_cast %scan3A_258 : i32 to index
        %get3A_698 = arith.constant 352 : index
        %get3A_699 = tpu.vector_load %arg9[%get3A_697, %get3A_698] {strides = array<i32>} : memref<32x384xf32, #tpu.memory_space<vmem>>, vector<1x16xf32>,
        %get3A_700 = vector.shape_cast %get3A_699 : vector<1x16xf32> to vector<16xf32>
        %get3A_701 = arith.index_cast %scan3A_258 : i32 to index
        %get3A_702 = arith.constant 352 : index
        %get3A_703 = tpu.vector_load %arg10[%get3A_701, %get3A_702] {strides = array<i32>} : memref<32x384xf32, #tpu.memory_space<vmem>>, vector<1x16xf32>,
        %get3A_704 = vector.shape_cast %get3A_703 : vector<1x16xf32> to vector<16xf32>
        %select_n3A_705 = arith.select %ge3A_117, %get3A_700, %get3A_704 : vector<16xi1>, vector<16xf32>
        %swap3A_706 = arith.index_cast %scan3A_258 : i32 to index
        %swap3A_707 = arith.constant 352 : index
        %swap3A_708 = tpu.vector_load %arg11[%swap3A_706, %swap3A_707] {strides = array<i32>} : memref<32x384xf32, #tpu.memory_space<vmem>>, vector<1x16xf32>,
        %swap3A_709 = vector.shape_cast %swap3A_708 : vector<1x16xf32> to vector<16xf32>
        %swap3A_710 = vector.shape_cast %select_n3A_705 : vector<16xf32> to vector<1x16xf32>
        tpu.vector_store %arg11[%swap3A_706, %swap3A_707], %swap3A_710 {strides = array<i32>} : memref<32x384xf32, #tpu.memory_space<vmem>>, vector<1x16xf32>,
        %select_n3A_711 = arith.select %ge3A_237, %get3A_704, %get3A_700 : vector<16xi1>, vector<16xf32>
        %swap3A_712 = arith.index_cast %scan3A_258 : i32 to index
        %swap3A_713 = arith.constant 352 : index
        %swap3A_714 = tpu.vector_load %arg12[%swap3A_712, %swap3A_713] {strides = array<i32>} : memref<32x384xf32, #tpu.memory_space<vmem>>, vector<1x16xf32>,
        %swap3A_715 = vector.shape_cast %swap3A_714 : vector<1x16xf32> to vector<16xf32>
        %swap3A_716 = vector.shape_cast %select_n3A_711 : vector<16xf32> to vector<1x16xf32>
        tpu.vector_store %arg12[%swap3A_712, %swap3A_713], %swap3A_716 {strides = array<i32>} : memref<32x384xf32, #tpu.memory_space<vmem>>, vector<1x16xf32>,
        %get3A_717 = arith.index_cast %scan3A_258 : i32 to index
        %get3A_718 = arith.constant 368 : index
        %get3A_719 = tpu.vector_load %arg9[%get3A_717, %get3A_718] {strides = array<i32>} : memref<32x384xf32, #tpu.memory_space<vmem>>, vector<1x16xf32>,
        %get3A_720 = vector.shape_cast %get3A_719 : vector<1x16xf32> to vector<16xf32>
        %get3A_721 = arith.index_cast %scan3A_258 : i32 to index
        %get3A_722 = arith.constant 368 : index
        %get3A_723 = tpu.vector_load %arg10[%get3A_721, %get3A_722] {strides = array<i32>} : memref<32x384xf32, #tpu.memory_space<vmem>>, vector<1x16xf32>,
        %get3A_724 = vector.shape_cast %get3A_723 : vector<1x16xf32> to vector<16xf32>
        %select_n3A_725 = arith.select %ge3A_122, %get3A_720, %get3A_724 : vector<16xi1>, vector<16xf32>
        %swap3A_726 = arith.index_cast %scan3A_258 : i32 to index
        %swap3A_727 = arith.constant 368 : index
        %swap3A_728 = tpu.vector_load %arg11[%swap3A_726, %swap3A_727] {strides = array<i32>} : memref<32x384xf32, #tpu.memory_space<vmem>>, vector<1x16xf32>,
        %swap3A_729 = vector.shape_cast %swap3A_728 : vector<1x16xf32> to vector<16xf32>
        %swap3A_730 = vector.shape_cast %select_n3A_725 : vector<16xf32> to vector<1x16xf32>
        tpu.vector_store %arg11[%swap3A_726, %swap3A_727], %swap3A_730 {strides = array<i32>} : memref<32x384xf32, #tpu.memory_space<vmem>>, vector<1x16xf32>,
        %select_n3A_731 = arith.select %ge3A_242, %get3A_724, %get3A_720 : vector<16xi1>, vector<16xf32>
        %swap3A_732 = arith.index_cast %scan3A_258 : i32 to index
        %swap3A_733 = arith.constant 368 : index
        %swap3A_734 = tpu.vector_load %arg12[%swap3A_732, %swap3A_733] {strides = array<i32>} : memref<32x384xf32, #tpu.memory_space<vmem>>, vector<1x16xf32>,
        %swap3A_735 = vector.shape_cast %swap3A_734 : vector<1x16xf32> to vector<16xf32>
        %swap3A_736 = vector.shape_cast %select_n3A_731 : vector<16xf32> to vector<1x16xf32>
        tpu.vector_store %arg12[%swap3A_732, %swap3A_733], %swap3A_736 {strides = array<i32>} : memref<32x384xf32, #tpu.memory_space<vmem>>, vector<1x16xf32>,
      }
      %scan3A_257 = arith.constant 32 : i32
      "tpu.region"() ({
        %run_scoped3A = tpu.sem_alloc : memref<!tpu.dma_semaphore, #tpu.memory_space<semaphore_mem>>
        %dma_start3A = arith.constant 0 : i32
        %dma_start3A_258 = tpu.memref_slice %arg7[%add3A_251, %dma_start3A] : memref<16384x384xf32, #tpu.memory_space<hbm>> -> memref<32x384xf32, #tpu.memory_space<hbm>>
        %dma_start3A_259 = arith.constant 0 : i32
        %dma_start3A_260 = tpu.memref_slice %arg7[%add3A_251, %dma_start3A_259] : memref<16384x384xf32, #tpu.memory_space<hbm>> -> memref<32x384xf32, #tpu.memory_space<hbm>>
        tpu.enqueue_dma source(%arg11 : memref<32x384xf32, #tpu.memory_space<vmem>>) target(%dma_start3A_260 : memref<32x384xf32, #tpu.memory_space<hbm>>) target_semaphore(%run_scoped3A : memref<!tpu.dma_semaphore, #tpu.memory_space<semaphore_mem>>)
        %dma_wait3A = arith.constant 0 : i32
        %dma_wait3A_261 = tpu.memref_slice %arg7[%add3A_251, %dma_wait3A] : memref<16384x384xf32, #tpu.memory_space<hbm>> -> memref<32x384xf32, #tpu.memory_space<hbm>>
        %dma_wait3A_262 = arith.constant 0 : i32
        %dma_wait3A_263 = tpu.memref_slice %arg7[%add3A_251, %dma_wait3A_262] : memref<16384x384xf32, #tpu.memory_space<hbm>> -> memref<32x384xf32, #tpu.memory_space<hbm>>
        tpu.wait_dma2 semaphore(%run_scoped3A : memref<!tpu.dma_semaphore, #tpu.memory_space<semaphore_mem>>) src(%arg11 : memref<32x384xf32, #tpu.memory_space<vmem>>) dst(%dma_wait3A_263 : memref<32x384xf32, #tpu.memory_space<hbm>>)
        tpu.yield
      }) : () -> ()
      "tpu.region"() ({
        %run_scoped3A = tpu.sem_alloc : memref<!tpu.dma_semaphore, #tpu.memory_space<semaphore_mem>>
        %dma_start3A = arith.constant 0 : i32
        %dma_start3A_258 = tpu.memref_slice %arg8[%add3A_251, %dma_start3A] : memref<16384x384xf32, #tpu.memory_space<hbm>> -> memref<32x384xf32, #tpu.memory_space<hbm>>
        %dma_start3A_259 = arith.constant 0 : i32
        %dma_start3A_260 = tpu.memref_slice %arg8[%add3A_251, %dma_start3A_259] : memref<16384x384xf32, #tpu.memory_space<hbm>> -> memref<32x384xf32, #tpu.memory_space<hbm>>
        tpu.enqueue_dma source(%arg12 : memref<32x384xf32, #tpu.memory_space<vmem>>) target(%dma_start3A_260 : memref<32x384xf32, #tpu.memory_space<hbm>>) target_semaphore(%run_scoped3A : memref<!tpu.dma_semaphore, #tpu.memory_space<semaphore_mem>>)
        %dma_wait3A = arith.constant 0 : i32
        %dma_wait3A_261 = tpu.memref_slice %arg8[%add3A_251, %dma_wait3A] : memref<16384x384xf32, #tpu.memory_space<hbm>> -> memref<32x384xf32, #tpu.memory_space<hbm>>
        %dma_wait3A_262 = arith.constant 0 : i32
        %dma_wait3A_263 = tpu.memref_slice %arg8[%add3A_251, %dma_wait3A_262] : memref<16384x384xf32, #tpu.memory_space<hbm>> -> memref<32x384xf32, #tpu.memory_space<hbm>>
        tpu.wait_dma2 semaphore(%run_scoped3A : memref<!tpu.dma_semaphore, #tpu.memory_space<semaphore_mem>>) src(%arg12 : memref<32x384xf32, #tpu.memory_space<vmem>>) dst(%dma_wait3A_263 : memref<32x384xf32, #tpu.memory_space<hbm>>)
        tpu.yield
      }) : () -> ()
    }
    %scan3A_247 = arith.constant 16 : i32
    return
  }
}

</mosaic_0001>

<sc_bundles>
// kernel: kernel.3.cloned.1.call-start
scs
__scs_entry_jumppad:
0x0: {  	(pc) =	sbr.rel $0x88, $3  }
0x1: {  	(tag) =	ssettag $0x0;
	lr =	simm.s32 $0x1  }
0x2: {  	[smem:$0x3F9C] =	sst lr;
	_ =	strace $0xD0000000  }
0x3: {  	_ = 	snop  }
0x4: {  	_ = 	snop  }
0x5: {  	_ = 	snop  }
0x6: {  	_ = 	snop  }
0x7: {  	_ = 	snop  }
__scs_overlays_trampoline_lowered:
0x8: {  	[smem:$0x3FAB] =	sst s0  }
0x9: {  	[smem:$0x3FAC] =	sst s1  }
0xa: {  	[smem:$0x3FAD] =	sst s2  }
0xb: {  	[smem:$0x3FAE] =	sst s3  }
0xc: {  	[smem:$0x3FAF] =	sst s4  }
0xd: {  	[smem:$0x3FB0] =	sst s5  }
0xe: {  	[smem:$0x3FB1] =	sst s6  }
0xf: {  	[smem:$0x3FB2] =	sst s7  }
0x10: {  	[smem:$0x3FB3] =	sst s8  }
0x11: {  	[smem:$0x3FB4] =	sst s9;
	s0 =	simm.s32 @!p0 $0x0  }
0x12: {  	s1 =	sld [smem:$0x3F9A];
	s0 =	simm.s32 @p0 $0x1  }
0x13: {  	[smem:$0x3FB5] =	sst s0;
	s0 =	simm.s32 @!p1 $0x0  }
0x14: {  	s2 =	sld [smem:$0x3F99];
	s0 =	simm.s32 @p1 $0x1  }
0x15: {  	[smem:$0x3FB6] =	sst s0;
	s0 =	simm.s32 @!p2 $0x0  }
0x16: {  	s3 =	sld [smem:$0x3FDB];
	s0 =	simm.s32 @p2 $0x1  }
0x17: {  	s4 =	simm.s32 $0x1BF5;
	[smem:$0x3FB8] =	sst s0  }
0x18: {  	s0 =	sld [smem:$0x3F9B];
	_ =	swait.ge [sflag:s4], $0x0  }
0x19: {  	s7 =	sld [smem:$0x3F9C]  }
0x1a: {  	s8 =	sadd.s32 $0xFFFFE003, lr  }
0x1b: {  	s9 =	sadd.s32 $0xFFFFFEF7, lr;
	s5 =	simm.s32 $0xFFFFFFFF;
	p2 =	slt.u32 s8, $0xFFFFF086  }
0x1c: {  	p1 =	slt.u32 s9, $0xF7A;
	s5 =	simm.s32 @!p2 $0x0  }
0x1d: {  	s5 =	simm.s32 @p1 $0x1;
	p0 =	seq.s32 s7, s2  }
0x1e: {  	s7 =	smul.u32 @!p0 $0xF7A, s2;
	p2 =	seq.s32 @!p0 s5, $0x0  }
0x1f: {  	s9 =	smul.u32 $0xF7A, s1;
	s8 =	simm.s32 @!p0 $0x1BF5;
	p2 =	por !p2, p0  }
0x20: {  	[sflag:s8] =	ssyncset.s32 @!p0 $0xFFFFF086;
	s6 =	sadd.s32 @!p0 s3, s7;
	s7 =	simm.s32 @!p0 $0x108  }
0x21: {  	s3 =	sadd.s32 s3, s9;
	s6 =	sadd.s32 @!p0 $0x88, s6;
	s7 =	simm.s32 @p2 $0x1082  }
0x22: {  	[simem:s7], [sflag:s8] =	dma.local @!p0 [hbm:s6], $0xF7A  }
0x23: {  	s9 =	sor.u32 $0xD0000000, s2;
	s6 =	simm.s32 $0x108;
	_ =	swait.ge @!p0 [sflag:s8], $0x0  }
0x24: {  	s3 =	sadd.s32 $0x88, s3;
	s6 =	simm.s32 @!p1 $0x1082;
	[sflag:s4] =	ssyncset.s32 $0xFFFFF086  }
0x25: {  	[simem:s6], [sflag:s4] =	dma.local [hbm:s3], $0xF7A  }
0x26: {  	[smem:$0x3F9C] =	sst s1;
	(tag) =	ssettag s2;
	_ =	strace s9  }
0x27: {  	s1 =	sld [smem:$0x3FAC]  }
0x28: {  	s2 =	sld [smem:$0x3FAD]  }
0x29: {  	s4 =	sld [smem:$0x3FAF]  }
0x2a: {  	p0 =	seq.s32 s5, $0x0;
	s5 =	sld [smem:$0x3FB0]  }
0x2b: {  	s6 =	sld [smem:$0x3FB1]  }
0x2c: {  	s7 =	sld [smem:$0x3FB2]  }
0x2d: {  	s3 =	simm.s32 $0x108;
	s8 =	sld [smem:$0x3FB3]  }
0x2e: {  	s3 =	simm.s32 @!p0 $0x1082;
	s9 =	sld [smem:$0x3FB4]  }
0x2f: {  	lr =	sadd.s32 s0, s3;
	s0 =	sld [smem:$0x3FAB]  }
0x30: {  	s3 =	sld [smem:$0x3FAE]  }
0x31: {  	[smem:$0x3FB7] =	sst s10  }
0x32: {  	s10 =	sld [smem:$0x3FB5];
	_ =	sdelay $0x3  }
0x33: {  	p0 =	seq.s32 s10, $0x1;
	s10 =	sld [smem:$0x3FB7];
	_ =	sdelay $0x3  }
0x34: {  	[smem:$0x3FB7] =	sst s10  }
0x35: {  	s10 =	sld [smem:$0x3FB6];
	_ =	sdelay $0x3  }
0x36: {  	p1 =	seq.s32 s10, $0x1;
	s10 =	sld [smem:$0x3FB7];
	_ =	sdelay $0x3  }
0x37: {  	[smem:$0x3FB7] =	sst s10  }
0x38: {  	s10 =	sld [smem:$0x3FB8]  }
0x39: {  	_ = 	snop;
	(pc) =	sbr.ind lr, $3  }
0x3a: {  	_ = 	snop  }
0x3b: {  	_ = 	snop  }
0x3c: {  	p2 =	seq.s32 s10, $0x1;
	s10 =	sld [smem:$0x3FB7]  }
0x3d: {  	_ =	shalt  }
0x3e: {  	_ =	shalt  }
0x3f: {  	_ =	shalt  }
0x40: {  	_ =	shalt  }
0x41: {  	_ =	shalt  }
0x42: {  	_ =	shalt  }
0x43: {  	_ =	shalt  }
0x44: {  	_ =	shalt  }
0x45: {  	_ =	shalt  }
0x46: {  	_ =	shalt  }
0x47: {  	_ =	shalt  }
0x48: {  	_ =	shalt  }
0x49: {  	_ =	shalt  }
0x4a: {  	_ =	shalt  }
0x4b: {  	_ =	shalt  }
0x4c: {  	_ =	shalt  }
0x4d: {  	_ =	shalt  }
0x4e: {  	_ =	shalt  }
0x4f: {  	_ =	shalt  }
0x50: {  	_ =	shalt  }
0x51: {  	_ =	shalt  }
0x52: {  	_ =	shalt  }
0x53: {  	_ =	shalt  }
0x54: {  	_ =	shalt  }
0x55: {  	_ =	shalt  }
0x56: {  	_ =	shalt  }
0x57: {  	_ =	shalt  }
0x58: {  	_ =	shalt  }
0x59: {  	_ =	shalt  }
0x5a: {  	_ =	shalt  }
0x5b: {  	_ =	shalt  }
0x5c: {  	_ =	shalt  }
0x5d: {  	_ =	shalt  }
0x5e: {  	_ =	shalt  }
0x5f: {  	_ =	shalt  }
0x60: {  	_ =	shalt  }
0x61: {  	_ =	shalt  }
0x62: {  	_ =	shalt  }
0x63: {  	_ =	shalt  }
0x64: {  	_ =	shalt  }
0x65: {  	_ =	shalt  }
0x66: {  	_ =	shalt  }
0x67: {  	_ =	shalt  }
0x68: {  	_ =	shalt  }
0x69: {  	_ =	shalt  }
0x6a: {  	_ =	shalt  }
0x6b: {  	_ =	shalt  }
0x6c: {  	_ =	shalt  }
0x6d: {  	_ =	shalt  }
0x6e: {  	_ =	shalt  }
0x6f: {  	_ =	shalt  }
0x70: {  	_ =	shalt  }
0x71: {  	_ =	shalt  }
0x72: {  	_ =	shalt  }
0x73: {  	_ =	shalt  }
0x74: {  	_ =	shalt  }
0x75: {  	_ =	shalt  }
0x76: {  	_ =	shalt  }
0x77: {  	_ =	shalt  }
0x78: {  	_ =	shalt  }
0x79: {  	_ =	shalt  }
0x7a: {  	_ =	shalt  }
0x7b: {  	_ =	shalt  }
0x7c: {  	_ =	shalt  }
0x7d: {  	_ =	shalt  }
0x7e: {  	_ =	shalt  }
0x7f: {  	_ =	shalt  }
0x80: {  	_ =	shalt  }
0x81: {  	_ =	shalt  }
0x82: {  	_ =	shalt  }
0x83: {  	_ =	shalt  }
0x84: {  	_ =	shalt  }
0x85: {  	_ =	shalt  }
0x86: {  	_ =	shalt  }
0x87: {  	_ =	shalt  }
.Lfunc_end0:
.L_simem_size_0:
called_computation_lowered:
.L_overlay_start_0:
0x88: {  	s2 =	sld [smem:$0x3FD9]  }
0x89: {  	s3 =	sld [smem:$0x3FFE];
	_ =	sdelay $0x1  }
0x8a: {  	s1 =	srdreg.scid  }
0x8b: {  	s0 =	sand.u32 $0x1, s1  }
0x8c: {  	s14 =	sshll.u32 s0, $0xA;
	s2 =	sadd.s32 s3, s2  }
0x8d: {  	s2 =	sadd.s32 s2, s14  }
0x8e: {  	[smem:$0x3FC3] =	sst s2  }
0x8f: {  	_ = 	snop  }
0x90: {  	s2 =	sld [smem:$0x3FC9]  }
0x91: {  	s15 =	sld [smem:$0x3FD0]  }
0x92: {  	s4 =	sld [smem:$0x3FC8]  }
0x93: {  	s5 =	sld [smem:$0x3FC7]  }
0x94: {  	s7 =	simm.s32 $0xA;
	s8 =	simm.s32 $0x10;
	s6 =	sld [smem:$0x3FC6]  }
0x95: {  	[smem:s8], [sflag:s7] =	dma.local [hbm:s15], $0x1  }
0x96: {  	_ =	swait.eq [sflag:s7], $0x1  }
0x97: {  	[sflag:s7] =	ssyncset.done $0x0  }
0x98: {  	s16 =	sld [smem:$0x10];
	[sflag:s7] =	ssyncadd.s32 $0xFFFFFFFF  }
0x99: {  	s17 =	sld [smem:$0x11];
	(tm) =	ssettm $0x1  }
0x9a: {  	s18 =	sld [smem:$0x3FFB];
	_ =	sdelay $0x3  }
0x9b: {  	_ =	strace s18  }
0x9c: {  	s8 =	sld [smem:$0x3FFC];
	_ =	sdelay $0x3  }
0x9d: {  	_ =	strace s8  }
0x9e: {  	s8 =	sld [smem:$0x3FFD];
	_ =	sdelay $0x3  }
0x9f: {  	_ =	strace s8  }
0xa0: {  	_ =	strace $0x8FFFFFFF  }
0xa1: {  	s19 =	sld [smem:$0x3FDB];
	_ =	sdelay $0x1  }
0xa2: {  	s9 =	simm.s32 $_scs_section_size  }
0xa3: {  	s10 =	simm.s32 $_size__tile_overlayer_lowered;
	s11 =	simm.s32 $_tile_overlayer_lowered  }
0xa4: {  	s22 =	simm.s32 $0x1BFF;
	s21 =	sshll.u32 s11, $0x1;
	s8 =	sadd.s32 s9, s19  }
0xa5: {  	s12 =	simm.s32 $0x0;
	s20 =	sshll.u32 s10, $0x1;
	s10 =	sadd.s32 s21, s8  }
0xa6: {  	[timem:s12], [sflag:s22] =	dma.local [hbm:s10], s20  }
0xa7: {  	_ =	swait.ge [sflag:s22], s20  }
0xa8: {  	s9 =	ssub.s32 $0x0, s20;
	[sflag:s22] =	ssyncset.done $0x0  }
0xa9: {  	[sflag:s22] =	ssyncadd.s32 s9;
	_ =	sdelay $0x1  }
0xaa: {  	s23 =	simm.s32 $0x1B8B  }
0xab: {  	_ =	swait.ge [sflag:s23], $0x1  }
0xac: {  	[sflag:s23] =	ssyncset.done $0x0  }
0xad: {  	s25 =	simm.s32 $0x1B8E;
	s24 =	sld [smem:$0x3FFE];
	[sflag:s23] =	ssyncadd.s32 $0xFFFFFFFF  }
0xae: {  	s26 =	simm.s32 $execute0_lowered;
	[smem:$0x3FD2] =	sst s25  }
0xaf: {  	s10 =	sshll.u32 s26, $0x1;
	_ =	strace $0x80000046;
	[dreg:$0x1] =	wrdreg $0xFFFFFFFF  }
0xb0: {  	s28 =	simm.s32 $_size_execute0_lowered;
	s8 =	sadd.s32 s8, s10;
	[dreg:$0x0] =	wrdreg $0x0  }
0xb1: {  	s10 =	sshll.u32 s28, $0x1;
	[dreg:$0x2] =	wrdreg s8  }
0xb2: {  	[dreg:$0x3] =	wrdreg s10  }
0xb3: {  	[dreg:$0x4] =	wrdreg $0xC0  }
0xb4: {  	_ =	task [dreg:s12], $0x5FFFF  }
0xb5: {  	[dreg:$0x1] =	wrdreg $0xFFFFFFFF  }
0xb6: {  	[dreg:$0x0] =	wrdreg $0x60  }
0xb7: {  	[dreg:$0x2] =	wrdreg s2  }
0xb8: {  	[dreg:$0x3] =	wrdreg s4  }
0xb9: {  	[dreg:$0x4] =	wrdreg s5  }
0xba: {  	[dreg:$0x5] =	wrdreg s6  }
0xbb: {  	[dreg:$0x6] =	wrdreg s24  }
0xbc: {  	[dreg:$0x7] =	wrdreg s16  }
0xbd: {  	[dreg:$0x8] =	wrdreg s17  }
0xbe: {  	[dreg:$0x9] =	wrdreg $0x9  }
0xbf: {  	_ =	task.clear_ibuf [dreg:s12], $0xAFFFF;
	_ =	strace $0x90000046  }
0xc0: {  	s29 =	simm.s32 $0x9;
	_ =	strace $0x80000048  }
0xc1: {  	_ =	swait.ge [sflag:s29], $0x1  }
0xc2: {  	[sflag:s29] =	ssyncadd.s32 $0xFFFFFFFF  }
0xc3: {  	_ =	strace $0x90000048  }
0xc4: {  	_ =	sfence  }
0xc5: {  	s30 =	sld [smem:$0x0];
	_ =	sdelay $0x2  }
0xc6: {  	s31 =	sshll.u32 s1, $0xD;
	s1 =	sshrl.u32 s1, $0x2  }
0xc7: {  	s3 =	sand.u32 $0x4000, s31;
	s1 =	sadd.s32 s1, s30  }
0xc8: {  	s0 =	sor.u32 s3, s0;
	s1 =	sshll.u32 s1, $0x11  }
0xc9: {  	s0 =	sor.u32 s1, s0  }
0xca: {  	s0 =	sadd.s32 $0x8F2B, s0  }
0xcb: {  	[sflag:s0] =	ssyncadd.remote.s32 $0x1  }
0xcc: {  	_ =	sfence.sel $0xFFFF  }
0xcd: {  	[dreg:$0x0] =	wrdreg $0xFFFFFFFF;
	(pc) =	sbr.abs _section_cstart, $3  }
0xce: {  	[dreg:$0x1] =	wrdreg $0xFFFFFFFF  }
0xcf: {  	_ =	task.clear_ibuf [dreg:s12], $0x2FFFF;
	_ =	strace $0x9FFFFFFF  }
0xd0: {  	(tm) =	ssettm $0x7FFFFFFF  }
0xd1: {  	_ =	shalt  }
tec
execute0_lowered:
.L_overlay_start_1:
0x0: {  	(tag) =	ssettag $0x1  }
0x1: {  	s0 =	rddreg [dreg:$0x0]  }
0x2: {  	s2 =	rddreg [dreg:$0x1]  }
0x3: {  	s3 =	rddreg [dreg:$0x2]  }
0x4: {  	s4 =	rddreg [dreg:$0x3]  }
0x5: {  	s9 =	rddreg [dreg:$0x4]  }
0x6: {  	s5 =	rddreg [dreg:$0x5]  }
0x7: {  	s6 =	rddreg [dreg:$0x6]  }
0x8: {  	s1 =	rddreg [dreg:$0x7];
	s7 =	simm.s32 $0x0  }
0x9: {  	s8 =	srdreg.scid;
	s14 =	simm.s32 $0xC180;
	s15 =	simm.s32 $0xC300  }
0xa: {  	s16 =	simm.s32 $0x3000;
	s17 =	simm.s32 $0x6000;
	s18 =	simm.s32 $0x9000  }
0xb: {  	s19 =	simm.s32 $0x0;
	[smem:$0x7FF] =	sst s7;
	s10 =	sand.u32 $0x1, s8  }
0xc: {  	s8 =	stileid.u32;
	s9 =	sadd.s32 $0x800, s9;
	s11 =	ssub.s32 $0x2, s10  }
0xd: {  	s13 =	sshll.u32 s8, $0x7;
	s10 =	sshll.u32 s10, $0x6;
	s12 =	sshrl.u32 s11, $0x1  }
0xe: {  	_ =	strace $0x80000047;
	s10 =	sor.u32 s10, s13;
	s11 =	ssub.s32 s11, s12  }
0xf: {  	s13 =	simm.s32 $0x1;
	s12 =	simm.s32 $0xC000;
	s11 =	smax.u32 s11, $0x1  }
.LBB2_1:
0x10: {  	[tilespmem:s12], [sflag:$0x1] =	stream.linear.gather [hbm4b:s3+s7], $0x180, $0x38;
	[tilespmem:$0xC380] =	vst v63  }
0x11: {  	_ =	swait.ge [sflag:s13], $0x180  }
0x12: {  	[sflag:s13] =	ssyncset.done $0x0  }
0x13: {  	[sflag:s13] =	ssyncadd.s32 $0xFFFFFE80  }
0x14: {  	[tilespmem:s14], [sflag:$0x1] =	stream.linear.gather [hbm4b:s4+s7], $0x180, $0x38;
	[tilespmem:$0xC380] =	vst v63  }
0x15: {  	_ =	swait.ge [sflag:s13], $0x180  }
0x16: {  	[sflag:s13] =	ssyncset.done $0x0  }
0x17: {  	[sflag:s13] =	ssyncadd.s32 $0xFFFFFE80  }
0x18: {  	[tilespmem:s15], [sflag:$0x1] =	stream.linear.gather [hbm4b:s9+s7], $0x80, $0x38;
	[tilespmem:$0xC380] =	vst v63  }
0x19: {  	_ =	swait.ge [sflag:s13], $0x80  }
0x1a: {  	[sflag:s13] =	ssyncset.done $0x0  }
0x1b: {  	[sflag:s13] =	ssyncadd.s32 $0xFFFFFF80  }
0x1c: {  	v1 =	vld [tilespmem:$0xC000]  }
0x1d: {  	v2 =	vld [tilespmem:$0xC010]  }
0x1e: {  	v3 =	vld [tilespmem:$0xC020]  }
0x1f: {  	v4 =	vld [tilespmem:$0xC030]  }
0x20: {  	v5 =	vld [tilespmem:$0xC040]  }
0x21: {  	v6 =	vld [tilespmem:$0xC050]  }
0x22: {  	v7 =	vld [tilespmem:$0xC060]  }
0x23: {  	v8 =	vld [tilespmem:$0xC070]  }
0x24: {  	v9 =	vld [tilespmem:$0xC080]  }
0x25: {  	v10 =	vld [tilespmem:$0xC090]  }
0x26: {  	v11 =	vld [tilespmem:$0xC0A0]  }
0x27: {  	v12 =	vld [tilespmem:$0xC0B0]  }
0x28: {  	v13 =	vld [tilespmem:$0xC0C0]  }
0x29: {  	v14 =	vld [tilespmem:$0xC0D0]  }
0x2a: {  	v15 =	vld [tilespmem:$0xC0E0]  }
0x2b: {  	v16 =	vld [tilespmem:$0xC0F0]  }
0x2c: {  	v17 =	vld [tilespmem:$0xC100]  }
0x2d: {  	v18 =	vld [tilespmem:$0xC110]  }
0x2e: {  	v19 =	vld [tilespmem:$0xC120]  }
0x2f: {  	v20 =	vld [tilespmem:$0xC130]  }
0x30: {  	v21 =	vld [tilespmem:$0xC140]  }
0x31: {  	v22 =	vld [tilespmem:$0xC150]  }
0x32: {  	v23 =	vld [tilespmem:$0xC160]  }
0x33: {  	v62 =	vimm.s32 $0x0;
	v63 =	vimm.s32 $0x0;
	v24 =	vld [tilespmem:$0xC170]  }
0x34: {  	v49 =	vimm.s32 $0x0;
	v50 =	vimm.s32 $0x0;
	v51 =	vimm.s32 $0x0;
	v25 =	vld [tilespmem:$0xC180]  }
0x35: {  	v52 =	vimm.s32 $0x0;
	v53 =	vimm.s32 $0x0;
	v54 =	vimm.s32 $0x0;
	v38 =	vld [tilespmem:$0xC250]  }
0x36: {  	v55 =	vimm.s32 $0x0;
	v56 =	vimm.s32 $0x0;
	v57 =	vimm.s32 $0x0;
	v39 =	vld [tilespmem:$0xC260]  }
0x37: {  	v58 =	vimm.s32 $0x0;
	v59 =	vimm.s32 $0x0;
	v60 =	vimm.s32 $0x0;
	v40 =	vld [tilespmem:$0xC270]  }
0x38: {  	v61 =	vimm.s32 $0x0;
	v41 =	vld [tilespmem:$0xC280];
	v1 =	vand.u32 $0x7FFFFFFF, v1;
	v2 =	vand.u32 $0x7FFFFFFF, v2  }
0x39: {  	v42 =	vld [tilespmem:$0xC290];
	v3 =	vand.u32 $0x7FFFFFFF, v3;
	v4 =	vand.u32 $0x7FFFFFFF, v4;
	v5 =	vand.u32 $0x7FFFFFFF, v5  }
0x3a: {  	v43 =	vld [tilespmem:$0xC2A0];
	v6 =	vand.u32 $0x7FFFFFFF, v6;
	v7 =	vand.u32 $0x7FFFFFFF, v7;
	v8 =	vand.u32 $0x7FFFFFFF, v8  }
0x3b: {  	v45 =	vld [tilespmem:$0xC2C0];
	v9 =	vand.u32 $0x7FFFFFFF, v9;
	v10 =	vand.u32 $0x7FFFFFFF, v10;
	v11 =	vand.u32 $0x7FFFFFFF, v11  }
0x3c: {  	v46 =	vld [tilespmem:$0xC2E0];
	v12 =	vand.u32 $0x7FFFFFFF, v12;
	v13 =	vand.u32 $0x7FFFFFFF, v13;
	v14 =	vand.u32 $0x7FFFFFFF, v14  }
0x3d: {  	v47 =	vld [tilespmem:$0xC2F0];
	v15 =	vand.u32 $0x7FFFFFFF, v15;
	v16 =	vand.u32 $0x7FFFFFFF, v16;
	v17 =	vand.u32 $0x7FFFFFFF, v17  }
0x3e: {  	v48 =	vld [tilespmem:$0xC2D0];
	v18 =	vand.u32 $0x7FFFFFFF, v18;
	v19 =	vand.u32 $0x7FFFFFFF, v19;
	v20 =	vand.u32 $0x7FFFFFFF, v20  }
0x3f: {  	v0 =	vld [tilespmem:$0xC300];
	v21 =	vand.u32 $0x7FFFFFFF, v21;
	v22 =	vand.u32 $0x7FFFFFFF, v22;
	v23 =	vand.u32 $0x7FFFFFFF, v23  }
0x40: {  	v24 =	vand.u32 $0x7FFFFFFF, v24;
	v25 =	vand.u32 $0x7FFFFFFF, v25;
	v38 =	vand.u32 $0x7FFFFFFF, v38  }
0x41: {  	v39 =	vand.u32 $0x7FFFFFFF, v39;
	v40 =	vand.u32 $0x7FFFFFFF, v40;
	v41 =	vand.u32 $0x7FFFFFFF, v41  }
0x42: {  	v42 =	vand.u32 $0x7FFFFFFF, v42;
	v43 =	vand.u32 $0x7FFFFFFF, v43;
	v45 =	vand.u32 $0x7FFFFFFF, v45  }
0x43: {  	v46 =	vand.u32 $0x7FFFFFFF, v46;
	v47 =	vand.u32 $0x7FFFFFFF, v47;
	v48 =	vand.u32 $0x7FFFFFFF, v48  }
0x44: {  	vm0 =	vge.f32 v47, v0;
	vm1 =	vge.f32 v46, v0;
	vm2 =	vge.f32 v48, v0  }
0x45: {  	v37 =	vld [tilespmem:$0xC240];
	vm3 =	vge.f32 v45, v0;
	v47 =	vsel vm0, $0xFFFFFFFF, v62;
	vm0 =	vge.f32 v43, v0  }
0x46: {  	v36 =	vld [tilespmem:$0xC230];
	v45 =	vimm.s32 $0x0;
	[tilespmem:$0x1FE80] =	vst v47;
	v43 =	vsel vm0, $0xFFFFFFFF, v63;
	vm0 =	vge.f32 v42, v0  }
0x47: {  	v35 =	vld [tilespmem:$0xC220];
	v46 =	vimm.s32 $0x0;
	[tilespmem:$0x1FE90] =	vst v43;
	v42 =	vsel vm0, $0xFFFFFFFF, v45;
	vm0 =	vge.f32 v41, v0  }
0x48: {  	v34 =	vld [tilespmem:$0xC210];
	v47 =	vimm.s32 $0x0;
	[tilespmem:$0x1FEA0] =	vst v42;
	v41 =	vsel vm0, $0xFFFFFFFF, v46;
	vm0 =	vge.f32 v40, v0  }
0x49: {  	v33 =	vld [tilespmem:$0xC200];
	v48 =	vimm.s32 $0x0;
	[tilespmem:$0x1FEB0] =	vst v41;
	v40 =	vsel vm0, $0xFFFFFFFF, v47;
	vm0 =	vge.f32 v39, v0  }
0x4a: {  	v32 =	vld [tilespmem:$0xC1F0];
	v37 =	vand.u32 $0x7FFFFFFF, v37;
	[tilespmem:$0x1FEC0] =	vst v40;
	v39 =	vsel vm0, $0xFFFFFFFF, v48;
	vm0 =	vge.f32 v38, v0  }
0x4b: {  	v31 =	vld [tilespmem:$0xC1E0];
	v36 =	vand.u32 $0x7FFFFFFF, v36;
	[tilespmem:$0x1FED0] =	vst v39;
	v38 =	vsel vm0, $0xFFFFFFFF, v49;
	vm0 =	vge.f32 v37, v0  }
0x4c: {  	v30 =	vld [tilespmem:$0xC1D0];
	v35 =	vand.u32 $0x7FFFFFFF, v35;
	[tilespmem:$0x1FEE0] =	vst v38;
	v37 =	vsel vm0, $0xFFFFFFFF, v50;
	vm0 =	vge.f32 v36, v0  }
0x4d: {  	v29 =	vld [tilespmem:$0xC1C0];
	v34 =	vand.u32 $0x7FFFFFFF, v34;
	[tilespmem:$0x1FEF0] =	vst v37;
	v36 =	vsel vm0, $0xFFFFFFFF, v51;
	vm0 =	vge.f32 v35, v0  }
0x4e: {  	v28 =	vld [tilespmem:$0xC1B0];
	v33 =	vand.u32 $0x7FFFFFFF, v33;
	[tilespmem:$0x1FF00] =	vst v36;
	v35 =	vsel vm0, $0xFFFFFFFF, v52;
	vm0 =	vge.f32 v34, v0  }
0x4f: {  	v27 =	vld [tilespmem:$0xC1A0];
	v32 =	vand.u32 $0x7FFFFFFF, v32;
	[tilespmem:$0x1FF10] =	vst v35;
	v34 =	vsel vm0, $0xFFFFFFFF, v53;
	vm0 =	vge.f32 v33, v0  }
0x50: {  	v26 =	vld [tilespmem:$0xC190];
	v31 =	vand.u32 $0x7FFFFFFF, v31;
	[tilespmem:$0x1FF20] =	vst v34;
	v33 =	vsel vm0, $0xFFFFFFFF, v54;
	vm0 =	vge.f32 v32, v0  }
0x51: {  	v44 =	vld [tilespmem:$0xC2B0];
	v30 =	vand.u32 $0x7FFFFFFF, v30;
	[tilespmem:$0x1FF30] =	vst v33;
	v32 =	vsel vm0, $0xFFFFFFFF, v55;
	vm0 =	vge.f32 v31, v0  }
0x52: {  	v29 =	vand.u32 $0x7FFFFFFF, v29;
	[tilespmem:$0x1FF40] =	vst v32;
	v31 =	vsel vm0, $0xFFFFFFFF, v56;
	vm0 =	vge.f32 v30, v0  }
0x53: {  	v28 =	vand.u32 $0x7FFFFFFF, v28;
	[tilespmem:$0x1FF50] =	vst v31;
	v30 =	vsel vm0, $0xFFFFFFFF, v57;
	vm0 =	vge.f32 v29, v0  }
0x54: {  	v27 =	vand.u32 $0x7FFFFFFF, v27;
	[tilespmem:$0x1FF60] =	vst v30;
	v29 =	vsel vm0, $0xFFFFFFFF, v58;
	vm0 =	vge.f32 v28, v0  }
0x55: {  	v26 =	vand.u32 $0x7FFFFFFF, v26;
	[tilespmem:$0x1FF70] =	vst v29;
	v28 =	vsel vm0, $0xFFFFFFFF, v59;
	vm0 =	vge.f32 v27, v0  }
0x56: {  	v44 =	vand.u32 $0x7FFFFFFF, v44;
	[tilespmem:$0x1FF80] =	vst v28;
	v27 =	vsel vm0, $0xFFFFFFFF, v60;
	vm0 =	vge.f32 v26, v0  }
0x57: {  	v62 =	vimm.s32 $0x0;
	[tilespmem:$0x1FF90] =	vst v27;
	v26 =	vsel vm0, $0xFFFFFFFF, v61;
	vm0 =	vge.f32 v25, v0  }
0x58: {  	v63 =	vimm.s32 $0x0;
	[tilespmem:$0x1FFA0] =	vst v26;
	v25 =	vsel vm0, $0xFFFFFFFF, v62;
	vm0 =	vge.f32 v24, v0  }
0x59: {  	[tilespmem:$0x1FFB0] =	vst v25;
	v24 =	vsel vm0, $0xFFFFFFFF, v63;
	vm0 =	vge.f32 v19, v0;
	v19 =	vimm.s32 $0x0  }
0x5a: {  	[tilespmem:$0x1FFC0] =	vst v24;
	v19 =	vsel vm0, $0xFFFFFFFF, v19;
	vm0 =	vge.f32 v18, v0;
	v18 =	vimm.s32 $0x0  }
0x5b: {  	[tilespmem:$0x1FFD0] =	vst v19;
	v18 =	vsel vm0, $0xFFFFFFFF, v18;
	vm0 =	vge.f32 v17, v0;
	v17 =	vimm.s32 $0x0  }
0x5c: {  	vm4 =	vge.f32 v44, v0;
	vm5 =	vge.f32 v23, v0;
	[tilespmem:$0x1FFE0] =	vst v18;
	v17 =	vsel vm0, $0xFFFFFFFF, v17  }
0x5d: {  	s20 =	simm.s32 $0x0;
	vm6 =	vge.f32 v22, v0;
	vm7 =	vge.f32 v21, v0;
	vm8 =	vge.f32 v20, v0;
	[tilespmem:$0x1FFF0] =	vst v17  }
.LBB2_2:
0x5e: {  	s21 =	sshll.u32 s20, $0x2  }
0x5f: {  	s21 =	sadd.s32 s10, s21  }
0x60: {  	s21 =	smul.u32 $0x180, s21;
	_ =	sdelay $0x1  }
0x61: {  	s23 =	simm.s32 $0x0;
	s22 =	sadd.s32 s0, s21  }
0x62: {  	[tilespmem:s23], [sflag:$0x1] =	stream.linear.gather [hbm4b:s22+s23], $0x3000, $0x38;
	[tilespmem:$0xC380] =	vst v63  }
0x63: {  	_ =	swait.ge [sflag:s13], $0x3000  }
0x64: {  	[sflag:s13] =	ssyncset.done $0x0  }
0x65: {  	s30 =	simm.s32 $0x0;
	s29 =	sadd.s32 s2, s21;
	[sflag:s13] =	ssyncadd.s32 $0xFFFFD000  }
0x66: {  	[tilespmem:s16], [sflag:$0x1] =	stream.linear.gather [hbm4b:s29+s23], $0x3000, $0x38;
	[tilespmem:$0xC380] =	vst v63  }
0x67: {  	s22 =	smul.u32 $0xC00, s30;
	_ =	swait.ge [sflag:s13], $0x3000  }
0x68: {  	s23 =	sand.u32 $0x380, s23;
	[sflag:s13] =	ssyncset.done $0x0;
	v24 =	vld [tilespmem:$0x1FE80]  }
0x69: {  	s22 =	sor.u32 s23, s22;
	v58 =	vld [tilespmem:$0x1FFC0];
	[sflag:s13] =	ssyncadd.s32 $0xFFFFD000  }
0x6a: {  	v17 =	vld [tilespmem:s22+$0x870]  }
0x6b: {  	v18 =	vld [tilespmem:s22+$0x3870];
	_ =	sdelay $0x2  }
0x6c: {  	v19 =	vld [tilespmem:s22+$0x0]  }
0x6d: {  	v20 =	vld [tilespmem:s22+$0x3000];
	vm0 =	vnez.u8 v24  }
0x6e: {  	v24 =	vsel vm0, v18, v17;
	vm0 =	vnez.u8 v58  }
0x6f: {  	v17 =	vsel vm0, v17, v18  }
0x70: {  	vm0 =	vge.f32 v1, v0;
	[tilespmem:s22+$0x6870] =	vst v17;
	v17 =	vimm.s32 $0x0  }
0x71: {  	v17 =	vsel vm0, $0xFFFFFFFF, v17  }
0x72: {  	[tilespmem:$0x1FDF0] =	vst v17;
	v17 =	vsel vm0, v19, v20  }
0x73: {  	[tilespmem:s22+$0x6000] =	vst v17;
	v17 =	vld [tilespmem:$0x1FFB0];
	_ =	sdelay $0x2  }
0x74: {  	v21 =	vld [tilespmem:s22+$0x10]  }
0x75: {  	v22 =	vld [tilespmem:s22+$0x3010]  }
0x76: {  	vm0 =	vnez.u8 v17  }
0x77: {  	v17 =	vsel vm0, v20, v19  }
0x78: {  	vm0 =	vge.f32 v2, v0;
	[tilespmem:s22+$0x9000] =	vst v17;
	v17 =	vimm.s32 $0x0  }
0x79: {  	v17 =	vsel vm0, $0xFFFFFFFF, v17  }
0x7a: {  	[tilespmem:$0x1FE00] =	vst v17;
	v17 =	vsel vm0, v21, v22  }
0x7b: {  	[tilespmem:s22+$0x6010] =	vst v17;
	v17 =	vld [tilespmem:$0x1FFA0];
	_ =	sdelay $0x2  }
0x7c: {  	v23 =	vld [tilespmem:s22+$0x20]  }
0x7d: {  	v25 =	vld [tilespmem:s22+$0x3020]  }
0x7e: {  	vm0 =	vnez.u8 v17  }
0x7f: {  	v17 =	vsel vm0, v22, v21  }
0x80: {  	vm0 =	vge.f32 v3, v0;
	[tilespmem:s22+$0x9010] =	vst v17;
	v17 =	vimm.s32 $0x0  }
0x81: {  	v17 =	vsel vm0, $0xFFFFFFFF, v17  }
0x82: {  	[tilespmem:$0x1FE10] =	vst v17;
	v17 =	vsel vm0, v23, v25  }
0x83: {  	[tilespmem:s22+$0x6020] =	vst v17;
	v17 =	vld [tilespmem:$0x1FF90];
	_ =	sdelay $0x2  }
0x84: {  	v18 =	vld [tilespmem:s22+$0x30]  }
0x85: {  	v19 =	vld [tilespmem:s22+$0x3030]  }
0x86: {  	vm0 =	vnez.u8 v17  }
0x87: {  	v17 =	vsel vm0, v25, v23  }
0x88: {  	vm0 =	vge.f32 v4, v0;
	[tilespmem:s22+$0x9020] =	vst v17;
	v17 =	vimm.s32 $0x0  }
0x89: {  	v17 =	vsel vm0, $0xFFFFFFFF, v17  }
0x8a: {  	[tilespmem:$0x1FE20] =	vst v17;
	v17 =	vsel vm0, v18, v19  }
0x8b: {  	[tilespmem:s22+$0x6030] =	vst v17;
	v17 =	vld [tilespmem:$0x1FF80];
	_ =	sdelay $0x2  }
0x8c: {  	v20 =	vld [tilespmem:s22+$0x40]  }
0x8d: {  	v21 =	vld [tilespmem:s22+$0x3040]  }
0x8e: {  	vm0 =	vnez.u8 v17  }
0x8f: {  	v17 =	vsel vm0, v19, v18  }
0x90: {  	vm0 =	vge.f32 v5, v0;
	[tilespmem:s22+$0x9030] =	vst v17;
	v17 =	vimm.s32 $0x0  }
0x91: {  	v17 =	vsel vm0, $0xFFFFFFFF, v17  }
0x92: {  	[tilespmem:$0x1FE30] =	vst v17;
	v17 =	vsel vm0, v20, v21  }
0x93: {  	[tilespmem:s22+$0x6040] =	vst v17;
	v17 =	vld [tilespmem:$0x1FF70];
	_ =	sdelay $0x2  }
0x94: {  	v22 =	vld [tilespmem:s22+$0x50]  }
0x95: {  	v23 =	vld [tilespmem:s22+$0x3050]  }
0x96: {  	vm0 =	vnez.u8 v17  }
0x97: {  	v17 =	vsel vm0, v21, v20  }
0x98: {  	vm0 =	vge.f32 v6, v0;
	[tilespmem:s22+$0x9040] =	vst v17;
	v17 =	vimm.s32 $0x0  }
0x99: {  	v17 =	vsel vm0, $0xFFFFFFFF, v17  }
0x9a: {  	[tilespmem:$0x1FE40] =	vst v17;
	v17 =	vsel vm0, v22, v23  }
0x9b: {  	[tilespmem:s22+$0x6050] =	vst v17;
	v17 =	vld [tilespmem:$0x1FF60];
	_ =	sdelay $0x2  }
0x9c: {  	v59 =	vld [tilespmem:s22+$0x60]  }
0x9d: {  	v18 =	vld [tilespmem:s22+$0x3060]  }
0x9e: {  	vm0 =	vnez.u8 v17  }
0x9f: {  	v17 =	vsel vm0, v23, v22  }
0xa0: {  	vm0 =	vge.f32 v7, v0;
	[tilespmem:s22+$0x9050] =	vst v17;
	v17 =	vimm.s32 $0x0  }
0xa1: {  	v17 =	vsel vm0, $0xFFFFFFFF, v17  }
0xa2: {  	[tilespmem:$0x1FE50] =	vst v17;
	v17 =	vsel vm0, v59, v18  }
0xa3: {  	[tilespmem:s22+$0x6060] =	vst v17;
	v17 =	vld [tilespmem:$0x1FF50];
	_ =	sdelay $0x2  }
0xa4: {  	v19 =	vld [tilespmem:s22+$0x70]  }
0xa5: {  	v20 =	vld [tilespmem:s22+$0x3070]  }
0xa6: {  	vm0 =	vnez.u8 v17  }
0xa7: {  	v17 =	vsel vm0, v18, v59  }
0xa8: {  	vm0 =	vge.f32 v8, v0;
	[tilespmem:s22+$0x9060] =	vst v17;
	v17 =	vimm.s32 $0x0  }
0xa9: {  	v17 =	vsel vm0, $0xFFFFFFFF, v17  }
0xaa: {  	[tilespmem:$0x1FE60] =	vst v17;
	v17 =	vsel vm0, v19, v20  }
0xab: {  	[tilespmem:s22+$0x6070] =	vst v17;
	v17 =	vld [tilespmem:$0x1FF40];
	_ =	sdelay $0x2  }
0xac: {  	v21 =	vld [tilespmem:s22+$0x400]  }
0xad: {  	v22 =	vld [tilespmem:s22+$0x3400]  }
0xae: {  	vm0 =	vnez.u8 v17  }
0xaf: {  	v17 =	vsel vm0, v20, v19  }
0xb0: {  	vm0 =	vge.f32 v9, v0;
	[tilespmem:s22+$0x9070] =	vst v17;
	v17 =	vimm.s32 $0x0  }
0xb1: {  	v17 =	vsel vm0, $0xFFFFFFFF, v17  }
0xb2: {  	[tilespmem:$0x1FE70] =	vst v17;
	v17 =	vsel vm0, v21, v22  }
0xb3: {  	[tilespmem:s22+$0x6400] =	vst v17;
	v17 =	vld [tilespmem:$0x1FF30]  }
0xb4: {  	v23 =	vld [tilespmem:s22+$0x410]  }
0xb5: {  	v18 =	vld [tilespmem:s22+$0x3410];
	_ =	sdelay $0x2  }
0xb6: {  	vm0 =	vnez.u8 v17  }
0xb7: {  	v17 =	vsel vm0, v22, v21;
	vm0 =	vge.f32 v10, v0  }
0xb8: {  	[tilespmem:s22+$0x9400] =	vst v17;
	v17 =	vsel vm0, v23, v18  }
0xb9: {  	[tilespmem:s22+$0x6410] =	vst v17;
	v17 =	vld [tilespmem:$0x1FF20]  }
0xba: {  	v60 =	vld [tilespmem:s22+$0x420]  }
0xbb: {  	v19 =	vld [tilespmem:s22+$0x3420];
	_ =	sdelay $0x2  }
0xbc: {  	vm11 =	vmmov vm0;
	vm0 =	vnez.u8 v17  }
0xbd: {  	v17 =	vsel vm0, v18, v23;
	vm0 =	vge.f32 v11, v0  }
0xbe: {  	[tilespmem:s22+$0x9410] =	vst v17;
	v17 =	vsel vm0, v60, v19  }
0xbf: {  	[tilespmem:s22+$0x6420] =	vst v17;
	v17 =	vld [tilespmem:$0x1FF10]  }
0xc0: {  	v20 =	vld [tilespmem:s22+$0x430]  }
0xc1: {  	v21 =	vld [tilespmem:s22+$0x3430];
	_ =	sdelay $0x2  }
0xc2: {  	vm10 =	vmmov vm0;
	vm0 =	vnez.u8 v17  }
0xc3: {  	v17 =	vsel vm0, v19, v60;
	vm0 =	vge.f32 v12, v0  }
0xc4: {  	[tilespmem:s22+$0x9420] =	vst v17;
	v17 =	vsel vm0, v20, v21  }
0xc5: {  	[tilespmem:s22+$0x6430] =	vst v17;
	v17 =	vld [tilespmem:$0x1FF00]  }
0xc6: {  	v22 =	vld [tilespmem:s22+$0x440]  }
0xc7: {  	v18 =	vld [tilespmem:s22+$0x3440];
	_ =	sdelay $0x2  }
0xc8: {  	vm12 =	vmmov vm0;
	vm0 =	vnez.u8 v17  }
0xc9: {  	v17 =	vsel vm0, v21, v20;
	vm0 =	vge.f32 v13, v0  }
0xca: {  	[tilespmem:s22+$0x9430] =	vst v17;
	v17 =	vsel vm0, v22, v18  }
0xcb: {  	[tilespmem:s22+$0x6440] =	vst v17;
	v17 =	vld [tilespmem:$0x1FEF0]  }
0xcc: {  	v23 =	vld [tilespmem:s22+$0x450]  }
0xcd: {  	v19 =	vld [tilespmem:s22+$0x3450];
	_ =	sdelay $0x2  }
0xce: {  	vm9 =	vmmov vm0;
	vm0 =	vnez.u8 v17  }
0xcf: {  	vm13 =	vge.f32 v14, v0;
	v17 =	vsel vm0, v18, v22  }
0xd0: {  	[tilespmem:s22+$0x9440] =	vst v17;
	v17 =	vsel vm13, v23, v19  }
0xd1: {  	[tilespmem:s22+$0x6450] =	vst v17;
	v17 =	vld [tilespmem:$0x1FEE0]  }
0xd2: {  	v61 =	vld [tilespmem:s22+$0x460]  }
0xd3: {  	v20 =	vld [tilespmem:s22+$0x3460];
	_ =	sdelay $0x2  }
0xd4: {  	vm0 =	vnez.u8 v17  }
0xd5: {  	vm14 =	vge.f32 v15, v0;
	v17 =	vsel vm0, v19, v23  }
0xd6: {  	[tilespmem:s22+$0x9450] =	vst v17;
	v17 =	vsel vm14, v61, v20  }
0xd7: {  	[tilespmem:s22+$0x6460] =	vst v17;
	v17 =	vld [tilespmem:$0x1FED0]  }
0xd8: {  	v21 =	vld [tilespmem:s22+$0x470]  }
0xd9: {  	v18 =	vld [tilespmem:s22+$0x3470];
	_ =	sdelay $0x2  }
0xda: {  	vm0 =	vnez.u8 v17  }
0xdb: {  	vm15 =	vge.f32 v16, v0;
	v17 =	vsel vm0, v20, v61  }
0xdc: {  	[tilespmem:s22+$0x9460] =	vst v17;
	v17 =	vsel vm15, v21, v18  }
0xdd: {  	[tilespmem:s22+$0x6470] =	vst v17;
	v17 =	vld [tilespmem:$0x1FEC0];
	_ =	sdelay $0x4  }
0xde: {  	vm0 =	vnez.u8 v17  }
0xdf: {  	v22 =	vld [tilespmem:s22+$0x800];
	v17 =	vsel vm0, v18, v21  }
0xe0: {  	[tilespmem:s22+$0x9470] =	vst v17;
	v17 =	vld [tilespmem:$0x1FFF0]  }
0xe1: {  	v23 =	vld [tilespmem:s22+$0x3800];
	_ =	sdelay $0x3  }
0xe2: {  	vm0 =	vnez.u8 v17  }
0xe3: {  	v17 =	vsel vm0, v22, v23  }
0xe4: {  	[tilespmem:s22+$0x6800] =	vst v17;
	v17 =	vld [tilespmem:$0x1FEB0];
	_ =	sdelay $0x4  }
0xe5: {  	vm0 =	vnez.u8 v17  }
0xe6: {  	v62 =	vld [tilespmem:s22+$0x810];
	v17 =	vsel vm0, v23, v22  }
0xe7: {  	[tilespmem:s22+$0x9800] =	vst v17;
	v17 =	vld [tilespmem:$0x1FFE0]  }
0xe8: {  	v20 =	vld [tilespmem:s22+$0x3810];
	_ =	sdelay $0x3  }
0xe9: {  	vm0 =	vnez.u8 v17  }
0xea: {  	v18 =	vsel vm0, v62, v20  }
0xeb: {  	[tilespmem:s22+$0x6810] =	vst v18;
	v18 =	vld [tilespmem:$0x1FEA0];
	_ =	sdelay $0x4  }
0xec: {  	vm0 =	vnez.u8 v18  }
0xed: {  	v63 =	vld [tilespmem:s22+$0x820];
	v18 =	vsel vm0, v20, v62  }
0xee: {  	[tilespmem:s22+$0x9810] =	vst v18;
	v18 =	vld [tilespmem:$0x1FFD0]  }
0xef: {  	v26 =	vld [tilespmem:s22+$0x3820];
	_ =	sdelay $0x3  }
0xf0: {  	vm0 =	vnez.u8 v18  }
0xf1: {  	v22 =	vsel vm0, v63, v26  }
0xf2: {  	[tilespmem:s22+$0x6820] =	vst v22;
	v22 =	vld [tilespmem:$0x1FE90]  }
0xf3: {  	v19 =	vld [tilespmem:s22+$0x830]  }
0xf4: {  	v21 =	vld [tilespmem:s22+$0x3830]  }
0xf5: {  	v17 =	vld [tilespmem:s22+$0x840]  }
0xf6: {  	v20 =	vld [tilespmem:s22+$0x3840]  }
0xf7: {  	s31 =	simm.s32 $0x0;
	v18 =	vld [tilespmem:s22+$0x850];
	vm0 =	vnez.u8 v22  }
0xf8: {  	s24 =	simm.s32 $0x2;
	s25 =	smul.u32 $0xC00, s31;
	s23 =	simm.s32 $0x80;
	[tilespmem:s22+$0x9870] =	vst v24;
	v22 =	vld [tilespmem:s22+$0x3850];
	v23 =	vsel vm0, v26, v63  }
.LBB2_3:
0xf9: {  	v25 =	vld [tilespmem:$0x1FFC0]  }
0xfa: {  	v26 =	vld [tilespmem:$0x1FE80]  }
0xfb: {  	s26 =	sand.u32 $0x380, s23;
	[tilespmem:s22+$0x9820] =	vst v23;
	v23 =	vsel vm8, v19, v21;
	v19 =	vsel vm4, v21, v19;
	v21 =	vld [tilespmem:s22+$0x860]  }
0xfc: {  	s25 =	sor.u32 s26, s25;
	[tilespmem:s22+$0x6830] =	vst v23;
	v23 =	vld [tilespmem:s22+$0x3860]  }
0xfd: {  	v24 =	vld [tilespmem:s25+$0x870];
	[tilespmem:s22+$0x9830] =	vst v19  }
0xfe: {  	v19 =	vsel vm7, v17, v20;
	v17 =	vsel vm3, v20, v17;
	v20 =	vld [tilespmem:s25+$0x3870]  }
0xff: {  	[tilespmem:s22+$0x6840] =	vst v19  }
0x100: {  	v19 =	vld [tilespmem:s25+$0x0];
	[tilespmem:s22+$0x9840] =	vst v17;
	v17 =	vsel vm6, v18, v22  }
0x101: {  	v18 =	vsel vm2, v22, v18;
	v22 =	vld [tilespmem:s25+$0x3000];
	[tilespmem:s22+$0x6850] =	vst v17  }
0x102: {  	vm0 =	vnez.u8 v25;
	v17 =	vld [tilespmem:s25+$0x10];
	[tilespmem:s22+$0x9850] =	vst v18;
	v18 =	vsel vm5, v21, v23  }
0x103: {  	v21 =	vsel vm1, v23, v21;
	v23 =	vld [tilespmem:s25+$0x3010];
	[tilespmem:s22+$0x6860] =	vst v18;
	v25 =	vsel vm0, v24, v20;
	vm0 =	vnez.u8 v26  }
0x104: {  	v18 =	vld [tilespmem:s25+$0x20];
	[tilespmem:s22+$0x9860] =	vst v21;
	s22 =	smov.u32 s25;
	v20 =	vsel vm0, v20, v24  }
0x105: {  	[tilespmem:s22+$0x9870] =	vst v20;
	v20 =	vld [tilespmem:$0x1FDF0]  }
0x106: {  	v47 =	vld [tilespmem:$0x1FFB0];
	_ =	sdelay $0x3  }
0x107: {  	vm0 =	vnez.u8 v20  }
0x108: {  	v20 =	vsel vm0, v19, v22;
	vm0 =	vnez.u8 v47  }
0x109: {  	v19 =	vsel vm0, v22, v19  }
0x10a: {  	[tilespmem:s22+$0x9000] =	vst v19;
	v19 =	vld [tilespmem:$0x1FE00]  }
0x10b: {  	v48 =	vld [tilespmem:$0x1FFA0];
	_ =	sdelay $0x3  }
0x10c: {  	vm0 =	vnez.u8 v19  }
0x10d: {  	v19 =	vsel vm0, v17, v23;
	vm0 =	vnez.u8 v48  }
0x10e: {  	v49 =	vld [tilespmem:$0x1FF90];
	v17 =	vsel vm0, v23, v17  }
0x10f: {  	[tilespmem:s22+$0x9010] =	vst v17;
	v17 =	vld [tilespmem:$0x1FE10]  }
0x110: {  	v21 =	vld [tilespmem:s22+$0x3020];
	_ =	sdelay $0x3  }
0x111: {  	vm0 =	vnez.u8 v17  }
0x112: {  	v50 =	vld [tilespmem:$0x1FF80];
	v17 =	vsel vm0, v18, v21;
	vm0 =	vnez.u8 v49  }
0x113: {  	v22 =	vld [tilespmem:s22+$0x30];
	v18 =	vsel vm0, v21, v18  }
0x114: {  	[tilespmem:s22+$0x9020] =	vst v18;
	v18 =	vld [tilespmem:$0x1FE20]  }
0x115: {  	[tilespmem:s22+$0x6000] =	vst v20;
	v20 =	vld [tilespmem:s22+$0x3030];
	_ =	sdelay $0x3  }
0x116: {  	vm0 =	vnez.u8 v18  }
0x117: {  	v51 =	vld [tilespmem:$0x1FF70];
	v18 =	vsel vm0, v22, v20;
	vm0 =	vnez.u8 v50  }
0x118: {  	v23 =	vld [tilespmem:s22+$0x40];
	v20 =	vsel vm0, v20, v22  }
0x119: {  	[tilespmem:s22+$0x9030] =	vst v20;
	v20 =	vld [tilespmem:$0x1FE30]  }
0x11a: {  	[tilespmem:s22+$0x6010] =	vst v19;
	v19 =	vld [tilespmem:s22+$0x3040];
	_ =	sdelay $0x3  }
0x11b: {  	vm0 =	vnez.u8 v20  }
0x11c: {  	v52 =	vld [tilespmem:$0x1FF60];
	v20 =	vsel vm0, v23, v19;
	vm0 =	vnez.u8 v51  }
0x11d: {  	v21 =	vld [tilespmem:s22+$0x50];
	v19 =	vsel vm0, v19, v23  }
0x11e: {  	[tilespmem:s22+$0x9040] =	vst v19;
	v19 =	vld [tilespmem:$0x1FE40]  }
0x11f: {  	[tilespmem:s22+$0x6020] =	vst v17;
	v17 =	vld [tilespmem:s22+$0x3050];
	_ =	sdelay $0x3  }
0x120: {  	vm0 =	vnez.u8 v19  }
0x121: {  	v53 =	vld [tilespmem:$0x1FF50];
	v19 =	vsel vm0, v21, v17;
	vm0 =	vnez.u8 v52  }
0x122: {  	v22 =	vld [tilespmem:s22+$0x60];
	v17 =	vsel vm0, v17, v21  }
0x123: {  	[tilespmem:s22+$0x9050] =	vst v17;
	v17 =	vld [tilespmem:$0x1FE50]  }
0x124: {  	[tilespmem:s22+$0x6030] =	vst v18;
	v18 =	vld [tilespmem:s22+$0x3060];
	_ =	sdelay $0x3  }
0x125: {  	v54 =	vld [tilespmem:$0x1FF40];
	vm0 =	vnez.u8 v17  }
0x126: {  	v55 =	vld [tilespmem:$0x1FF30];
	v17 =	vsel vm0, v22, v18;
	vm0 =	vnez.u8 v53  }
0x127: {  	v23 =	vld [tilespmem:s22+$0x70];
	v18 =	vsel vm0, v18, v22  }
0x128: {  	[tilespmem:s22+$0x9060] =	vst v18;
	v18 =	vld [tilespmem:$0x1FE60]  }
0x129: {  	[tilespmem:s22+$0x6040] =	vst v20;
	v20 =	vld [tilespmem:s22+$0x3070]  }
0x12a: {  	v56 =	vld [tilespmem:$0x1FF20]  }
0x12b: {  	v57 =	vld [tilespmem:$0x1FF10]  }
0x12c: {  	v58 =	vld [tilespmem:$0x1FF00]  }
0x12d: {  	v59 =	vld [tilespmem:$0x1FEF0];
	vm0 =	vnez.u8 v18  }
0x12e: {  	v60 =	vld [tilespmem:$0x1FEE0];
	v18 =	vsel vm0, v23, v20;
	vm0 =	vnez.u8 v54  }
0x12f: {  	v21 =	vld [tilespmem:s22+$0x400];
	v20 =	vsel vm0, v20, v23  }
0x130: {  	[tilespmem:s22+$0x9070] =	vst v20;
	v20 =	vld [tilespmem:$0x1FE70]  }
0x131: {  	[tilespmem:s22+$0x6050] =	vst v19;
	v19 =	vld [tilespmem:s22+$0x3400]  }
0x132: {  	v61 =	vld [tilespmem:$0x1FED0]  }
0x133: {  	v22 =	vld [tilespmem:s22+$0x410]  }
0x134: {  	[tilespmem:s22+$0x6060] =	vst v17;
	v17 =	vld [tilespmem:s22+$0x3410]  }
0x135: {  	v23 =	vld [tilespmem:s22+$0x420];
	vm0 =	vnez.u8 v20  }
0x136: {  	[tilespmem:s22+$0x6070] =	vst v18;
	v18 =	vld [tilespmem:s22+$0x3420];
	v20 =	vsel vm0, v21, v19;
	vm0 =	vnez.u8 v55  }
0x137: {  	v19 =	vsel vm0, v19, v21;
	v21 =	vld [tilespmem:s22+$0x430]  }
0x138: {  	[tilespmem:s22+$0x6400] =	vst v20;
	v20 =	vld [tilespmem:s22+$0x3430];
	vm0 =	vnez.u8 v56  }
0x139: {  	[tilespmem:s22+$0x9400] =	vst v19;
	v19 =	vsel vm11, v22, v17;
	v17 =	vsel vm0, v17, v22;
	v22 =	vld [tilespmem:s22+$0x440]  }
0x13a: {  	vm0 =	vnez.u8 v57;
	[tilespmem:s22+$0x6410] =	vst v19;
	v19 =	vld [tilespmem:s22+$0x3440]  }
0x13b: {  	[tilespmem:s22+$0x9410] =	vst v17;
	v17 =	vsel vm10, v23, v18;
	v18 =	vsel vm0, v18, v23;
	v23 =	vld [tilespmem:s22+$0x450]  }
0x13c: {  	vm0 =	vnez.u8 v58;
	[tilespmem:s22+$0x6420] =	vst v17;
	v17 =	vld [tilespmem:s22+$0x3450]  }
0x13d: {  	[tilespmem:s22+$0x9420] =	vst v18;
	v18 =	vsel vm12, v21, v20;
	v20 =	vsel vm0, v20, v21;
	v21 =	vld [tilespmem:s22+$0x460]  }
0x13e: {  	[tilespmem:s22+$0x6430] =	vst v18;
	v18 =	vld [tilespmem:s22+$0x3460];
	_ =	sdelay $0x1  }
0x13f: {  	vm0 =	vnez.u8 v59  }
0x140: {  	[tilespmem:s22+$0x9430] =	vst v20;
	v20 =	vsel vm9, v22, v19;
	v19 =	vsel vm0, v19, v22;
	vm0 =	vnez.u8 v60  }
0x141: {  	v22 =	vld [tilespmem:s22+$0x470];
	[tilespmem:s22+$0x9440] =	vst v19;
	v19 =	vsel vm13, v23, v17;
	v17 =	vsel vm0, v17, v23;
	vm0 =	vnez.u8 v61  }
0x142: {  	[tilespmem:s22+$0x9450] =	vst v17;
	v17 =	vsel vm14, v21, v18;
	v18 =	vsel vm0, v18, v21;
	v21 =	vld [tilespmem:$0x1FEC0]  }
0x143: {  	[tilespmem:s22+$0x6440] =	vst v20;
	v20 =	vld [tilespmem:s22+$0x3470];
	_ =	sdelay $0x3  }
0x144: {  	v23 =	vld [tilespmem:s22+$0x800];
	[tilespmem:s22+$0x6450] =	vst v19;
	vm0 =	vnez.u8 v21  }
0x145: {  	v19 =	vld [tilespmem:s22+$0x3800];
	[tilespmem:s22+$0x9460] =	vst v18;
	v18 =	vsel vm15, v22, v20;
	v20 =	vsel vm0, v20, v22  }
0x146: {  	[tilespmem:s22+$0x9470] =	vst v20;
	v20 =	vld [tilespmem:$0x1FFF0]  }
0x147: {  	v21 =	vld [tilespmem:$0x1FEB0];
	_ =	sdelay $0x3  }
0x148: {  	v62 =	vld [tilespmem:s22+$0x810];
	vm0 =	vnez.u8 v20  }
0x149: {  	[tilespmem:s22+$0x6460] =	vst v17;
	v17 =	vld [tilespmem:s22+$0x3810];
	v20 =	vsel vm0, v23, v19;
	vm0 =	vnez.u8 v21  }
0x14a: {  	v23 =	vsel vm0, v19, v23;
	[tilespmem:s22+$0x6800] =	vst v20;
	v20 =	vld [tilespmem:$0x1FFE0]  }
0x14b: {  	[tilespmem:s22+$0x9800] =	vst v23;
	v23 =	vld [tilespmem:$0x1FEA0];
	_ =	sdelay $0x3  }
0x14c: {  	vm0 =	vnez.u8 v20  }
0x14d: {  	v20 =	vsel vm0, v62, v17;
	vm0 =	vnez.u8 v23  }
0x14e: {  	v23 =	vsel vm0, v17, v62  }
0x14f: {  	[tilespmem:s22+$0x9810] =	vst v23;
	v23 =	vld [tilespmem:$0x1FFD0];
	_ =	sdelay $0x2  }
0x150: {  	[tilespmem:s22+$0x6470] =	vst v18;
	v18 =	vld [tilespmem:s22+$0x3820]  }
0x151: {  	v22 =	vld [tilespmem:s22+$0x820]  }
0x152: {  	vm0 =	vnez.u8 v23;
	v23 =	vld [tilespmem:$0x1FE90];
	_ =	sdelay $0x1  }
0x153: {  	p0 =	sne.s32 s24, $0x1F;
	v21 =	vld [tilespmem:s22+$0x3830]  }
.Ltmp0:
0x154: {  	v19 =	vld [tilespmem:s22+$0x830];
	(pc) =	sbr.rel @p0 .LBB2_3-.Ltmp0, $4  }
0x155: {  	v17 =	vld [tilespmem:s22+$0x840]  }
0x156: {  	[tilespmem:s22+$0x6810] =	vst v20;
	v20 =	vld [tilespmem:s22+$0x3840];
	v63 =	vsel vm0, v22, v18;
	vm0 =	vnez.u8 v23  }
0x157: {  	s31 =	sshrl.u32 s24, $0x3;
	[tilespmem:s22+$0x6870] =	vst v25;
	v23 =	vsel vm0, v18, v22;
	v18 =	vld [tilespmem:s22+$0x850]  }
0x158: {  	s24 =	sadd.s32 $0x1, s24;
	s23 =	sadd.s32 $0x80, s23;
	s25 =	smul.u32 $0xC00, s31;
	[tilespmem:s22+$0x6820] =	vst v63;
	v22 =	vld [tilespmem:s22+$0x3850]  }
0x159: {  	v24 =	vld [tilespmem:s22+$0x860]  }
0x15a: {  	v33 =	vld [tilespmem:s22+$0x3860]  }
0x15b: {  	v38 =	vld [tilespmem:$0x1FE80]  }
0x15c: {  	v40 =	vld [tilespmem:$0x1FDF0]  }
0x15d: {  	v42 =	vld [tilespmem:$0x1FE00]  }
0x15e: {  	v43 =	vld [tilespmem:$0x1FFA0]  }
0x15f: {  	v45 =	vld [tilespmem:$0x1FE10]  }
0x160: {  	v46 =	vld [tilespmem:$0x1FF90]  }
0x161: {  	v48 =	vld [tilespmem:$0x1FE20]  }
0x162: {  	v50 =	vld [tilespmem:$0x1FF80]  }
0x163: {  	v52 =	vld [tilespmem:$0x1FE30]  }
0x164: {  	v53 =	vld [tilespmem:$0x1FF70]  }
0x165: {  	v55 =	vld [tilespmem:$0x1FE40]  }
0x166: {  	v56 =	vld [tilespmem:$0x1FF60]  }
0x167: {  	v58 =	vld [tilespmem:$0x1FE50]  }
0x168: {  	v59 =	vld [tilespmem:$0x1FF50]  }
0x169: {  	v61 =	vld [tilespmem:$0x1FE60]  }
0x16a: {  	v63 =	vld [tilespmem:$0x1FF40]  }
0x16b: {  	[tilespmem:s22+$0x9820] =	vst v23;
	v32 =	vsel vm8, v19, v21;
	s23 =	sand.u32 $0x380, s23;
	v29 =	vld [tilespmem:$0x1FE70]  }
0x16c: {  	v19 =	vsel vm4, v21, v19;
	v30 =	vld [tilespmem:$0x1FF30];
	[tilespmem:s22+$0x6830] =	vst v32;
	s23 =	sor.u32 s23, s25  }
0x16d: {  	v34 =	vld [tilespmem:s23+$0x870];
	[tilespmem:s22+$0x9830] =	vst v19;
	v19 =	vsel vm7, v17, v20  }
0x16e: {  	v17 =	vsel vm3, v20, v17;
	v25 =	vld [tilespmem:s23+$0x3870];
	[tilespmem:s22+$0x6840] =	vst v19  }
0x16f: {  	v19 =	vld [tilespmem:s23+$0x0];
	[tilespmem:s22+$0x9840] =	vst v17;
	v17 =	vsel vm6, v18, v22  }
0x170: {  	v35 =	vld [tilespmem:s23+$0x3000];
	[tilespmem:s22+$0x6850] =	vst v17;
	v17 =	vsel vm2, v22, v18  }
0x171: {  	v18 =	vld [tilespmem:s23+$0x10];
	[tilespmem:s22+$0x9850] =	vst v17  }
0x172: {  	v17 =	vsel vm5, v24, v33;
	v36 =	vld [tilespmem:s23+$0x3010]  }
0x173: {  	[tilespmem:s22+$0x6860] =	vst v17;
	v17 =	vsel vm1, v33, v24;
	v33 =	vld [tilespmem:$0x1FF20]  }
0x174: {  	v37 =	vld [tilespmem:s23+$0x20]  }
0x175: {  	[tilespmem:s22+$0x9860] =	vst v17;
	v17 =	vld [tilespmem:$0x1FFC0]  }
0x176: {  	v39 =	vld [tilespmem:s23+$0x3020]  }
0x177: {  	v41 =	vld [tilespmem:s23+$0x30]  }
0x178: {  	v44 =	vld [tilespmem:s23+$0x3040]  }
0x179: {  	vm0 =	vnez.u8 v38;
	v47 =	vld [tilespmem:s23+$0x3050]  }
0x17a: {  	v24 =	vsel vm0, v25, v34;
	v49 =	vld [tilespmem:s23+$0x60];
	vm0 =	vnez.u8 v17  }
0x17b: {  	v51 =	vld [tilespmem:s23+$0x3060];
	v17 =	vsel vm0, v34, v25  }
0x17c: {  	[tilespmem:s23+$0x6870] =	vst v17;
	v17 =	vld [tilespmem:$0x1FFB0]  }
0x17d: {  	v54 =	vld [tilespmem:s23+$0x3070]  }
0x17e: {  	v57 =	vld [tilespmem:s23+$0x3400]  }
0x17f: {  	v60 =	vld [tilespmem:s23+$0x3410]  }
0x180: {  	v62 =	vld [tilespmem:s23+$0x420];
	vm0 =	vnez.u8 v40  }
0x181: {  	[tilespmem:s23+$0x9870] =	vst v24;
	v28 =	vld [tilespmem:s23+$0x3420];
	v24 =	vsel vm0, v19, v35;
	vm0 =	vnez.u8 v17  }
0x182: {  	v17 =	vsel vm0, v35, v19;
	v19 =	vld [tilespmem:s23+$0x3030];
	vm0 =	vnez.u8 v42  }
0x183: {  	v31 =	vld [tilespmem:s23+$0x3430];
	v20 =	vsel vm0, v18, v36;
	vm0 =	vnez.u8 v43  }
0x184: {  	[tilespmem:s23+$0x9000] =	vst v17;
	v17 =	vld [tilespmem:s23+$0x40];
	v18 =	vsel vm0, v36, v18;
	vm0 =	vnez.u8 v45  }
0x185: {  	v34 =	vld [tilespmem:s23+$0x3440];
	v22 =	vsel vm0, v37, v39;
	vm0 =	vnez.u8 v46  }
0x186: {  	[tilespmem:s23+$0x9010] =	vst v18;
	v18 =	vld [tilespmem:s23+$0x50];
	v21 =	vsel vm0, v39, v37;
	vm0 =	vnez.u8 v48  }
0x187: {  	v40 =	vld [tilespmem:$0x1FF00];
	v23 =	vsel vm0, v41, v19;
	vm0 =	vnez.u8 v50  }
0x188: {  	[tilespmem:s23+$0x6000] =	vst v24;
	v43 =	vld [tilespmem:$0x1FEF0];
	v19 =	vsel vm0, v19, v41;
	vm0 =	vnez.u8 v52  }
0x189: {  	v36 =	vld [tilespmem:$0x1FF10];
	[tilespmem:s23+$0x9020] =	vst v21;
	v24 =	vsel vm0, v17, v44;
	vm0 =	vnez.u8 v53  }
0x18a: {  	[tilespmem:s23+$0x9030] =	vst v19;
	v19 =	vld [tilespmem:s23+$0x70];
	v17 =	vsel vm0, v44, v17;
	vm0 =	vnez.u8 v55  }
0x18b: {  	v46 =	vld [tilespmem:$0x1FEE0];
	[tilespmem:s23+$0x6040] =	vst v24;
	v24 =	vsel vm0, v18, v47;
	vm0 =	vnez.u8 v56  }
0x18c: {  	v37 =	vld [tilespmem:s23+$0x3450];
	[tilespmem:s23+$0x9040] =	vst v17;
	v18 =	vsel vm0, v47, v18;
	vm0 =	vnez.u8 v58  }
0x18d: {  	v17 =	vld [tilespmem:s23+$0x400];
	[tilespmem:s23+$0x6050] =	vst v24;
	v24 =	vsel vm0, v49, v51;
	vm0 =	vnez.u8 v59  }
0x18e: {  	v39 =	vld [tilespmem:s23+$0x460];
	[tilespmem:s23+$0x9050] =	vst v18;
	v21 =	vsel vm0, v51, v49;
	vm0 =	vnez.u8 v61  }
0x18f: {  	v18 =	vld [tilespmem:s23+$0x410];
	[tilespmem:s23+$0x6060] =	vst v24;
	v24 =	vsel vm0, v19, v54;
	vm0 =	vnez.u8 v63  }
0x190: {  	v41 =	vld [tilespmem:s23+$0x3460];
	v19 =	vsel vm0, v54, v19  }
0x191: {  	vm0 =	vnez.u8 v29;
	[tilespmem:s23+$0x9070] =	vst v19;
	v19 =	vld [tilespmem:s23+$0x430]  }
0x192: {  	v53 =	vld [tilespmem:$0x1FEC0];
	[tilespmem:s23+$0x6070] =	vst v24;
	v24 =	vsel vm0, v17, v57;
	vm0 =	vnez.u8 v30  }
0x193: {  	[tilespmem:s23+$0x6010] =	vst v20;
	v49 =	vld [tilespmem:$0x1FED0];
	v17 =	vsel vm0, v57, v17;
	vm0 =	vnez.u8 v33  }
0x194: {  	v32 =	vsel vm11, v18, v60;
	[tilespmem:s23+$0x9400] =	vst v17;
	v17 =	vld [tilespmem:s23+$0x440];
	v18 =	vsel vm0, v60, v18;
	vm0 =	vnez.u8 v36  }
0x195: {  	[tilespmem:s23+$0x9410] =	vst v18;
	v18 =	vld [tilespmem:s23+$0x450];
	v20 =	vsel vm0, v28, v62;
	vm0 =	vnez.u8 v40  }
0x196: {  	v44 =	vld [tilespmem:s23+$0x3470];
	v38 =	vsel vm12, v19, v31;
	v19 =	vsel vm0, v31, v19  }
0x197: {  	[tilespmem:s23+$0x9430] =	vst v19;
	v19 =	vld [tilespmem:s23+$0x470]  }
0x198: {  	vm0 =	vnez.u8 v43  }
0x199: {  	v42 =	vsel vm9, v17, v34;
	v17 =	vsel vm0, v34, v17;
	vm0 =	vnez.u8 v46  }
0x19a: {  	v45 =	vsel vm13, v18, v37;
	v18 =	vsel vm0, v37, v18;
	vm0 =	vnez.u8 v49  }
0x19b: {  	v56 =	vld [tilespmem:$0x1FEB0];
	[tilespmem:s23+$0x9420] =	vst v20;
	v20 =	vsel vm0, v41, v39;
	vm0 =	vnez.u8 v53  }
0x19c: {  	v47 =	vld [tilespmem:s23+$0x3800];
	v51 =	vsel vm15, v19, v44;
	v19 =	vsel vm0, v44, v19  }
0x19d: {  	[tilespmem:s23+$0x9470] =	vst v19;
	v19 =	vld [tilespmem:$0x1FFF0]  }
0x19e: {  	[tilespmem:s23+$0x9440] =	vst v17;
	v17 =	vld [tilespmem:s23+$0x800];
	_ =	sdelay $0x3  }
0x19f: {  	v35 =	vsel vm10, v62, v28;
	vm0 =	vnez.u8 v19  }
0x1a0: {  	[tilespmem:s23+$0x6420] =	vst v35;
	v50 =	vld [tilespmem:s23+$0x3810];
	v19 =	vsel vm0, v17, v47;
	vm0 =	vnez.u8 v56  }
0x1a1: {  	[tilespmem:s23+$0x6020] =	vst v22;
	v58 =	vld [tilespmem:$0x1FEA0];
	v17 =	vsel vm0, v47, v17  }
0x1a2: {  	[tilespmem:s23+$0x9800] =	vst v17;
	v17 =	vld [tilespmem:$0x1FFE0]  }
0x1a3: {  	[tilespmem:s23+$0x9450] =	vst v18;
	v18 =	vld [tilespmem:s23+$0x810]  }
0x1a4: {  	[tilespmem:s23+$0x6030] =	vst v23;
	v48 =	vsel vm14, v39, v41  }
0x1a5: {  	[tilespmem:s23+$0x6460] =	vst v48  }
0x1a6: {  	[tilespmem:s23+$0x9060] =	vst v21  }
0x1a7: {  	[tilespmem:s23+$0x6400] =	vst v24;
	vm0 =	vnez.u8 v17  }
0x1a8: {  	v52 =	vld [tilespmem:s23+$0x820];
	[tilespmem:s23+$0x6410] =	vst v32;
	v17 =	vsel vm0, v18, v50;
	vm0 =	vnez.u8 v58  }
0x1a9: {  	v55 =	vld [tilespmem:s23+$0x830];
	[tilespmem:s23+$0x6430] =	vst v38;
	v18 =	vsel vm0, v50, v18  }
0x1aa: {  	[tilespmem:s23+$0x9810] =	vst v18;
	v18 =	vld [tilespmem:$0x1FFD0]  }
0x1ab: {  	v54 =	vld [tilespmem:s23+$0x3820];
	[tilespmem:s23+$0x6440] =	vst v42  }
0x1ac: {  	[tilespmem:s23+$0x6800] =	vst v19;
	v19 =	vld [tilespmem:s23+$0x3830]  }
0x1ad: {  	v57 =	vld [tilespmem:s23+$0x840];
	[tilespmem:s23+$0x6450] =	vst v45  }
0x1ae: {  	[tilespmem:s23+$0x6810] =	vst v17;
	v17 =	vld [tilespmem:s23+$0x3840]  }
0x1af: {  	v60 =	vld [tilespmem:$0x1FE90];
	[tilespmem:s23+$0x9460] =	vst v20;
	vm0 =	vnez.u8 v18  }
0x1b0: {  	v59 =	vld [tilespmem:s23+$0x850];
	[tilespmem:s23+$0x6470] =	vst v51;
	v18 =	vsel vm0, v52, v54  }
0x1b1: {  	v61 =	vsel vm8, v55, v19;
	[tilespmem:s23+$0x6820] =	vst v18;
	v18 =	vld [tilespmem:s23+$0x3850]  }
0x1b2: {  	v63 =	vld [tilespmem:s23+$0x3860];
	v19 =	vsel vm4, v19, v55;
	[tilespmem:s23+$0x6830] =	vst v61  }
0x1b3: {  	v62 =	vld [tilespmem:s23+$0x860];
	[tilespmem:s23+$0x9830] =	vst v19;
	v19 =	vsel vm7, v57, v17  }
0x1b4: {  	v17 =	vsel vm3, v17, v57;
	[tilespmem:s23+$0x6840] =	vst v19;
	vm0 =	vnez.u8 v60  }
0x1b5: {  	[tilespmem:s23+$0x9840] =	vst v17;
	v20 =	vsel vm0, v54, v52  }
0x1b6: {  	[tilespmem:s23+$0x9820] =	vst v20;
	v17 =	vsel vm6, v59, v18  }
0x1b7: {  	v18 =	vsel vm2, v18, v59;
	[tilespmem:s23+$0x6850] =	vst v17  }
0x1b8: {  	[tilespmem:s23+$0x9850] =	vst v18;
	v17 =	vsel vm5, v62, v63  }
0x1b9: {  	v18 =	vsel vm1, v63, v62;
	[tilespmem:s23+$0x6860] =	vst v17  }
0x1ba: {  	s30 =	sadd.s32 s5, s21;
	[tilespmem:s23+$0x9860] =	vst v18  }
0x1bb: {  	[hbm4b:s30+s7] =	stream.linear.scatter [tilespmem:s17], [sflag:$0x1], $0x3000, $0x38;
	[tilespmem:$0xC380] =	vst v63  }
0x1bc: {  	s20 =	sadd.s32 $0x1, s20;
	_ =	swait.ge [sflag:s13], $0x3000  }
0x1bd: {  	p0 =	sne.s32 s20, $0x10;
	[sflag:s13] =	ssyncset.done $0x0  }
.Ltmp1:
0x1be: {  	s31 =	sadd.s32 s6, s21;
	[sflag:s13] =	ssyncadd.s32 $0xFFFFD000;
	(pc) =	sbr.rel @p0 .LBB2_2-.Ltmp1, $4  }
0x1bf: {  	[hbm4b:s31+s7] =	stream.linear.scatter [tilespmem:s18], [sflag:$0x1], $0x3000, $0x38;
	[tilespmem:$0xC380] =	vst v63  }
0x1c0: {  	_ =	swait.ge [sflag:s13], $0x3000  }
0x1c1: {  	[sflag:s13] =	ssyncset.done $0x0  }
0x1c2: {  	[sflag:s13] =	ssyncadd.s32 $0xFFFFD000  }
0x1c3: {  	s19 =	sadd.s32 $0x1, s19  }
0x1c4: {  	p0 =	sne.s32 s19, s11  }
.Ltmp2:
0x1c5: {  	_ = 	snop;
	(pc) =	sbr.rel @p0 .LBB2_1-.Ltmp2, $1  }
0x1c6: {  	_ =	sdelay $0x3  }
0x1c7: {  	_ =	sfence.sel $0x180000  }
0x1c8: {  	[bflag:$0x0] =	sbarrier.arrive $0xFFFF  }
0x1c9: {  	p0 =	sne.s32 s8, $0x0;
	_ =	strace $0x90000047  }
0x1ca: {  	s0 =	sadd.s32 @!p0 $0x100000, s1;
	[bflag:$0x2] =	sbarrier.arrive $0xFFFF  }
0x1cb: {  	[sflag:s0] =	ssyncadd.tile.s32 @!p0 $0x1;
	_ =	shalt  }
.Lfunc_end2:
_tile_overlayer_lowered:
.L_overlay_start_2:
0x1cc: {  	(tag) =	ssettag $0x2  }
0x1cd: {  	s0 =	rddreg [dreg:$0x0];
	s2 =	stileid.u32  }
0x1ce: {  	s1 =	rddreg [dreg:$0x1];
	p0 =	sne.s32 s2, $0x0  }
0x1cf: {  	s3 =	rddreg [dreg:$0x2];
	[bflag:$0x3] =	sbarrier.arrive $0xFFFF;
	s2 =	simm.s32 @!p0 $0x1C01  }
0x1d0: {  	[timem:s3], [sflag:s2] =	dma.local @!p0 [hbm:s0], s1  }
0x1d1: {  	s0 =	simm.s32 @!p0 $0x1  }
0x1d2: {  	_ =	swait.ge @!p0 [sflag:s0], s1  }
0x1d3: {  	s1 =	ssub.s32 @!p0 $0x0, s1;
	[sflag:s0] =	ssyncset.done @!p0 $0x0  }
0x1d4: {  	[sflag:s0] =	ssyncadd.s32 @!p0 s1  }
0x1d5: {  	[bflag:$0x3] =	sbarrier.arrive $0xFFFF  }
0x1d6: {  	_ =	shalt  }

</sc_bundles>
